<compile_context>
chip_gen: v7x
topology: tpu7x:2x2x1
jax: 0.10.2.dev20260603
libtpu: 0.0.44.dev20260713+nightly
codegen_flags: <defaults>
</compile_context>

<pallas_src>
import functools

import jax
import jax.numpy as jnp
from jax import lax
from jax.experimental import pallas as pl
from jax.experimental.pallas import tpu as pltpu
from jax.experimental.pallas import tpu_sc as plsc

N_NODES = 10000
D = 128
EXPERTS = 3
TEMP = 101.0

NC = 2
NS = 16
NW = NC * NS
L = 16

CHUNK = 128
RING = 4
BR = 2000
PBR = 2048


def _mesh():
    return plsc.VectorSubcoreMesh(
        core_axis_name="c", subcore_axis_name="s", num_cores=NC, num_subcores=NS
    )


def _chunk_plan(e):
    nchunks = -(-e // CHUNK)
    base = nchunks // NW
    extra = nchunks % NW
    return base, extra, e % CHUNK


def _wid_start(wid, base, extra):
    return wid * base + jnp.minimum(wid, extra)


def _deg_call(ei, base, extra, tail, npad):
    assert tail == 0, "deg kernel assumes CHUNK-aligned edge count"
    emax = (base + (1 if extra else 0)) * CHUNK

    @functools.partial(
        pl.kernel,
        mesh=_mesh(),
        out_type=jax.ShapeDtypeStruct((NW, npad), jnp.float32),
        scratch_types=[
            pltpu.VMEM((emax,), jnp.int32),
            pltpu.VMEM((npad,), jnp.float32),
        ],
        compiler_params=pltpu.CompilerParams(needs_layout_passes=False),
    )
    def k(ei_hbm, out_hbm, idxv, hist):
        cid = lax.axis_index("c")
        sid = lax.axis_index("s")
        wid = sid * NC + cid
        start = _wid_start(wid, base, extra) * CHUNK

        def fill_zero(i, carry):
            hist[pl.ds(i * L, L)] = jnp.zeros((L,), jnp.float32)
            return carry

        lax.fori_loop(0, npad // L, fill_zero, 0)
        pltpu.sync_copy(
            ei_hbm.at[1, pl.ds(start, base * CHUNK)],
            idxv.at[pl.ds(0, base * CHUNK)],
        )
        if extra:
            @pl.when(wid < extra)
            def _():
                pltpu.sync_copy(
                    ei_hbm.at[1, pl.ds(start + base * CHUNK, CHUNK)],
                    idxv.at[pl.ds(base * CHUNK, CHUNK)],
                )
        ones16 = jnp.ones((L,), jnp.float32)

        def body(i, carry):
            idx = idxv[pl.ds(i * L, L)]
            plsc.addupdate_scatter(hist, [idx], ones16)
            return carry

        lax.fori_loop(0, base * CHUNK // L, body, 0)
        if extra:
            @pl.when(wid < extra)
            def _():
                lax.fori_loop(
                    base * CHUNK // L, (base + 1) * CHUNK // L, body, 0
                )
        pltpu.sync_copy(hist, out_hbm.at[wid])

    return k(ei)


def _agg_call(xs, ei, base, extra, tail, npad):
    assert tail == 0, "agg kernel assumes CHUNK-aligned edge count"
    pairs = base // 2
    odd = base % 2
    rpt = npad // NS

    @functools.partial(
        pl.kernel,
        mesh=_mesh(),
        out_type=jax.ShapeDtypeStruct((NC, npad, D), jnp.float32),
        scratch_types=[
            pltpu.VMEM((RING, CHUNK), jnp.int32),
            pltpu.VMEM((RING, CHUNK), jnp.int32),
            pltpu.VMEM((CHUNK, D), jnp.float32),
            pltpu.VMEM((CHUNK, D), jnp.float32),
            pltpu.VMEM_SHARED((npad, D), jnp.float32),
            pltpu.SemaphoreType.DMA,
            pltpu.SemaphoreType.DMA,
            pltpu.SemaphoreType.DMA,
            pltpu.SemaphoreType.DMA,
        ],
    )
    def k(xs_hbm, ei_hbm, out_hbm, sxv, dxv, ra, rb, agg_sh, sie, sio, sa, sb):
        cid = lax.axis_index("c")
        sid = lax.axis_index("s")
        wid = sid * NC + cid
        start = _wid_start(wid, base, extra) * CHUNK
        n = base + jnp.where(wid < extra, 1, 0)

        def zfill(i, carry):
            rb[lax.div(i, D // L), pl.ds(lax.rem(i, D // L) * L, L)] = jnp.zeros(
                (L,), jnp.float32
            )
            return carry

        lax.fori_loop(0, CHUNK * (D // L), zfill, 0)
        nz = -(-rpt // CHUNK)
        for kk in range(nz):
            rows = min(CHUNK, rpt - kk * CHUNK)
            pltpu.sync_copy(
                rb.at[pl.ds(0, rows)],
                agg_sh.at[pl.ds(sid * rpt + kk * CHUNK, rows)],
            )

        def ipf(c, slot, sem):
            off = start + c * CHUNK
            pltpu.async_copy(ei_hbm.at[0, pl.ds(off, CHUNK)], sxv.at[slot], sem)
            pltpu.async_copy(ei_hbm.at[1, pl.ds(off, CHUNK)], dxv.at[slot], sem)

        def iwait(sem):
            pltpu.make_async_copy(ei_hbm.at[0, pl.ds(0, CHUNK)], sxv.at[0], sem).wait()
            pltpu.make_async_copy(ei_hbm.at[1, pl.ds(0, CHUNK)], dxv.at[0], sem).wait()

        def gwait(buf, sem):
            pltpu.make_async_copy(xs_hbm.at[sxv.at[0]], buf, sem).wait()

        ipf(0, 0, sie)
        iwait(sie)
        ipf(1, 1, sio)
        ipf(2, 2, sie)
        plsc.subcore_barrier()
        pltpu.async_copy(xs_hbm.at[sxv.at[0]], ra, sa)

        def body(i, carry):
            c = 2 * i
            r0 = lax.rem(c, RING)
            r1 = lax.rem(c + 1, RING)
            r2 = lax.rem(c + 2, RING)
            r3 = lax.rem(c + 3, RING)
            iwait(sio)
            pltpu.async_copy(xs_hbm.at[sxv.at[r1]], rb, sb)

            @pl.when(c + 3 < n)
            def _():
                ipf(c + 3, r3, sio)

            gwait(ra, sa)
            pltpu.sync_copy(ra, agg_sh.at[dxv.at[r0]], add=True)

            @pl.when(c + 2 < n)
            def _():
                iwait(sie)
                pltpu.async_copy(xs_hbm.at[sxv.at[r2]], ra, sa)

                @pl.when(c + 4 < n)
                def _():
                    ipf(c + 4, lax.rem(c + 4, RING), sie)

            gwait(rb, sb)
            pltpu.sync_copy(rb, agg_sh.at[dxv.at[r1]], add=True)
            return carry

        lax.fori_loop(0, pairs, body, 0)
        if odd:
            rz = (base - 1) % RING
            buf, sem = (ra, sa) if (base - 1) % 2 == 0 else (rb, sb)
            gwait(buf, sem)
            pltpu.sync_copy(buf, agg_sh.at[dxv.at[rz]], add=True)
        if extra:
            @pl.when(wid < extra)
            def _():
                rz = base % RING
                buf, sem = (ra, sa) if base % 2 == 0 else (rb, sb)
                gwait(buf, sem)
                pltpu.sync_copy(buf, agg_sh.at[dxv.at[rz]], add=True)
        plsc.subcore_barrier()
        pltpu.sync_copy(
            agg_sh.at[pl.ds(sid * rpt, rpt)],
            out_hbm.at[cid, pl.ds(sid * rpt, rpt)],
        )

    return k(xs, ei)


def _prep_call(deg_parts, x, gf, Wg):

    def body(degp_ref, x_ref, gf_ref, wg_ref, xs_ref, dsi_ref, gate_ref):
        deg = jnp.sum(degp_ref[...], axis=0) + 1.0
        dsi = lax.rsqrt(deg)[:N_NODES]
        xs_ref[...] = x_ref[...] * dsi[:, None]
        dsi_ref[...] = dsi[:, None]
        logits = jnp.dot(gf_ref[...], wg_ref[...], preferred_element_type=jnp.float32)
        logits = logits * (1.0 / TEMP)
        m = jnp.max(logits, axis=-1, keepdims=True)
        e = jnp.exp(logits - m)
        gate_ref[...] = e / jnp.sum(e, axis=-1, keepdims=True)

    return pl.pallas_call(
        body,
        out_shape=(
            jax.ShapeDtypeStruct((N_NODES, D), jnp.float32),
            jax.ShapeDtypeStruct((N_NODES, 1), jnp.float32),
            jax.ShapeDtypeStruct((N_NODES, EXPERTS), jnp.float32),
        ),
    )(deg_parts, x, gf, Wg)


def _combine_call(agg_parts, xs, dsi, gate, W, b):
    BR = 2000

    def body(a_ref, xs_ref, dsi_ref, gate_ref, w_ref, b_ref, o_ref):
        agg = (a_ref[0] + a_ref[1] + xs_ref[...]) * dsi_ref[...]
        acc = jnp.zeros((BR, D), jnp.float32)
        for i in range(EXPERTS):
            h = jnp.dot(agg, w_ref[i], preferred_element_type=jnp.float32)
            h = h + b_ref[i][None, :]
            acc = acc + gate_ref[:, i][:, None] * jnp.maximum(h, 0.0)
        o_ref[...] = acc

    return pl.pallas_call(
        body,
        grid=(N_NODES // BR,),
        in_specs=[
            pl.BlockSpec((NC, BR, D), lambda i: (0, i, 0)),
            pl.BlockSpec((BR, D), lambda i: (i, 0)),
            pl.BlockSpec((BR, 1), lambda i: (i, 0)),
            pl.BlockSpec((BR, EXPERTS), lambda i: (i, 0)),
            pl.BlockSpec((EXPERTS, D, D), lambda i: (0, 0, 0)),
            pl.BlockSpec((EXPERTS, D), lambda i: (0, 0)),
        ],
        out_specs=pl.BlockSpec((BR, D), lambda i: (i, 0)),
        out_shape=jax.ShapeDtypeStruct((N_NODES, D), jnp.float32),
    )(agg_parts, xs, dsi, gate, W, b)


def kernel(x, edge_index, gate_features, W, b, Wg):
    ei = edge_index.astype(jnp.int32)
    e = ei.shape[1]
    npad = -(-N_NODES // CHUNK) * CHUNK
    if e % CHUNK != 0:
        npad = N_NODES + 240
        pad = CHUNK - e % CHUNK
        pad_rows = N_NODES + (jnp.arange(pad, dtype=jnp.int32) % (npad - N_NODES))
        ei = jnp.concatenate([ei, jnp.stack([pad_rows, pad_rows])], axis=1)
        e = e + pad
    base, extra, tail = _chunk_plan(e)

    deg_parts = _deg_call(ei, base, extra, tail, npad)
    xs, dsi, gate = _prep_call(deg_parts, x, gate_features, Wg)
    if npad > N_NODES:
        xs_full = jnp.concatenate(
            [xs, jnp.zeros((npad - N_NODES, D), jnp.float32)], axis=0
        )
    else:
        xs_full = xs
    agg_parts = _agg_call(xs_full, ei, base, extra, tail, npad)
    return _combine_call(agg_parts, xs, dsi, gate, W, b)

# --- scband reference (transcript-rebuilt; emitter-appended) ---
"""Pipeline reference for scband-camo-e-gnn-layer-7086696038965 (READ-ONLY COPY).

The authoritative reference and input builder live on the scoring server;
editing this copy changes nothing except your own understanding.
"""

import jax, jax.numpy as jnp
import numpy as np

N_NODES = 10000
N_EDGES = 320000
D_IN = 128
D_OUT = 128
GATE_CH = 4
EXPERTS = 3


def setup_inputs(seed: int = 0) -> dict:
    key = jax.random.key(seed)
    ks = jax.random.split(key, 8)
    x = jax.random.normal(ks[0], (N_NODES, D_IN), dtype=jnp.float32)
    edge_index = jax.random.randint(ks[1], (2, N_EDGES), 0, N_NODES, dtype=jnp.int32).astype(jnp.int64)
    gate_features = jax.random.normal(ks[2], (N_NODES, GATE_CH), dtype=jnp.float32)
    # Per-expert GCNConv params: lin weight [in, out] (no bias in lin), bias added after aggregation
    W = jax.random.normal(ks[3], (EXPERTS, D_IN, D_OUT), dtype=jnp.float32) * (1.0 / np.sqrt(D_IN))
    b = jnp.zeros((EXPERTS, D_OUT), dtype=jnp.float32)
    # Gating network: nn.Linear(gate_channels, experts, bias=False); stored as [gate_ch, experts] so y = g @ Wg
    Wg = jax.random.normal(ks[4], (GATE_CH, EXPERTS), dtype=jnp.float32) * 0.5
    return {"x": x, "edge_index": edge_index, "gate_features": gate_features, "W": W, "b": b, "Wg": Wg}


def _gcn_conv(x, src, dst, W, b, num_nodes):
    # PyG GCNConv with add_self_loops=True, normalize=True (self-loops already in src/dst)
    h = x @ W
    ones = jnp.ones(src.shape[0], dtype=x.dtype)
    deg = jnp.zeros(num_nodes, dtype=x.dtype).at[dst].add(ones)
    deg_inv_sqrt = jnp.where(deg > 0, jax.lax.rsqrt(jnp.maximum(deg, 1e-12)), 0.0)
    norm = deg_inv_sqrt[src] * deg_inv_sqrt[dst]
    msg = h[src] * norm[:, None]
    out = jnp.zeros((num_nodes, h.shape[1]), dtype=x.dtype).at[dst].add(msg)
    return out + b


def reference(x, edge_index, gate_features, W, b, Wg):
    num_nodes = x.shape[0]
    loop = jnp.arange(num_nodes, dtype=edge_index.dtype)
    src = jnp.concatenate([edge_index[0], loop])
    dst = jnp.concatenate([edge_index[1], loop])
    # self.batch == 0 at first forward: temperature = 100 - 0 + final_temperature(1.0)
    temperature = 100.0 - 0.0 / (200 * 0.01) + 1.0
    gate_logits = gate_features @ Wg
    gate_output = jax.nn.softmax(gate_logits / temperature, axis=-1)
    out = jnp.zeros((num_nodes, D_OUT), dtype=x.dtype)
    for i in range(EXPERTS):
        expert_out = jax.nn.relu(_gcn_conv(x, src, dst, W[i], b[i], num_nodes))
        out = out + gate_output[:, i][:, None] * expert_out
    return out

if __name__ == "__main__":
    import jax
    _d = setup_inputs()
    print(jax.jit(kernel)(*tuple(_d.values())))

</pallas_src>

<mosaic_0001>
#map = affine_map<(d0, d1) -> (0, 0)>
#map1 = affine_map<(d0, d1) -> (0, 0, 0)>
module attributes {stable_mosaic.version = 14 : i64} {
  func.func @k(%arg0: i32, %arg1: i32, %arg2: memref<10112x128xf32, #tpu.memory_space<hbm>>, %arg3: memref<2x320000xi32, #tpu.memory_space<hbm>>, %arg4: memref<2x10112x128xf32, #tpu.memory_space<hbm>>, %arg5: memref<4x128xi32, #tpu.memory_space<vmem>>, %arg6: memref<4x128xi32, #tpu.memory_space<vmem>>, %arg7: memref<128x128xf32, #tpu.memory_space<vmem>>, %arg8: memref<128x128xf32, #tpu.memory_space<vmem>>, %arg9: memref<10112x128xf32, #tpu.memory_space<vmem_shared>>, %arg10: memref<!tpu.dma_semaphore, #tpu.memory_space<semaphore_mem>>, %arg11: memref<!tpu.dma_semaphore, #tpu.memory_space<semaphore_mem>>, %arg12: memref<!tpu.dma_semaphore, #tpu.memory_space<semaphore_mem>>, %arg13: memref<!tpu.dma_semaphore, #tpu.memory_space<semaphore_mem>>) attributes {dimension_semantics = [#tpu.dimension_semantics<core_parallel>, #tpu.dimension_semantics<subcore_parallel>], iteration_bounds = array<i64: 2, 16>, scalar_prefetch = 0 : i64, scratch_operands = 9 : i64, tpu.core_type = #tpu.core_type<sc_vector_subcore>, window_params = [{transform_indices = #map}, {transform_indices = #map}, {transform_indices = #map1}]} {
    %mul3A = arith.constant 2 : i32
    %mul3A_0 = arith.muli %arg1, %mul3A : i32
    %add3A = arith.addi %mul3A_0, %arg0 : i32
    %mul3A_1 = arith.constant 78 : i32
    %mul3A_2 = arith.muli %add3A, %mul3A_1 : i32
    %min3A = arith.constant 4 : i32
    %min3A_3 = arith.minsi %add3A, %min3A : i32
    %add3A_4 = arith.addi %mul3A_2, %min3A_3 : i32
    %mul3A_5 = arith.constant 128 : i32
    %mul3A_6 = arith.muli %add3A_4, %mul3A_5 : i32
    %lt3A = arith.constant 4 : i32
    %lt3A_7 = arith.cmpi slt, %add3A, %lt3A : i32
    %jit3A = arith.constant 1 : i32
    %jit3A_8 = arith.constant 0 : i32
    %select_n3A = arith.select %lt3A_7, %jit3A, %jit3A_8 : i32
    %add3A_9 = arith.constant 78 : i32
    %add3A_10 = arith.addi %add3A_9, %select_n3A : i32
    %scan3A = arith.constant 0 : i32
    %scan3A_11 = arith.constant 0 : i32
    %scan3A_12 = arith.constant 1024 : i32
    %scan3A_13 = arith.addi %scan3A_11, %scan3A_12 : i32
    %scan3A_14 = arith.constant 1 : i32
    scf.for %scan3A_161 = %scan3A_11 to %scan3A_13 step %scan3A_14  : i32 {
      %broadcast_in_dim3A = arith.constant 0.000000e+00 : f32
      %broadcast_in_dim3A_162 = vector.broadcast %broadcast_in_dim3A : f32 to vector<16xf32>
      %div3A = arith.constant 8 : i32
      %div3A_163 = arith.divsi %scan3A_161, %div3A : i32
      %rem3A = arith.constant 8 : i32
      %rem3A_164 = arith.remsi %scan3A_161, %rem3A : i32
      %mul3A_165 = arith.constant 16 : i32
      %mul3A_166 = arith.muli %rem3A_164, %mul3A_165 : i32
      %swap3A = arith.index_cast %div3A_163 : i32 to index
      %swap3A_167 = arith.index_cast %mul3A_166 : i32 to index
      %swap3A_168 = tpu.vector_load %arg8[%swap3A, %swap3A_167] {strides = array<i32>} : memref<128x128xf32, #tpu.memory_space<vmem>>, vector<1x16xf32>,
      %swap3A_169 = vector.shape_cast %swap3A_168 : vector<1x16xf32> to vector<16xf32>
      %swap3A_170 = vector.shape_cast %broadcast_in_dim3A_162 : vector<16xf32> to vector<1x16xf32>
      tpu.vector_store %arg8[%swap3A, %swap3A_167], %swap3A_170 {strides = array<i32>} : memref<128x128xf32, #tpu.memory_space<vmem>>, vector<1x16xf32>,
    }
    %scan3A_15 = arith.constant 1024 : i32
    %mul3A_16 = arith.constant 632 : i32
    %mul3A_17 = arith.muli %arg1, %mul3A_16 : i32
    %add3A_18 = arith.constant 0 : i32
    %add3A_19 = arith.addi %mul3A_17, %add3A_18 : i32
    "tpu.region"() ({
      %run_scoped3A = tpu.sem_alloc : memref<!tpu.dma_semaphore, #tpu.memory_space<semaphore_mem>>
      %dma_start3A_161 = arith.constant 0 : i32
      %dma_start3A_162 = arith.constant 0 : i32
      %dma_start3A_163 = tpu.memref_slice %arg8[%dma_start3A_161, %dma_start3A_162] : memref<128x128xf32, #tpu.memory_space<vmem>> -> memref<128x128xf32, #tpu.memory_space<vmem>>
      %dma_start3A_164 = arith.constant 0 : i32
      %dma_start3A_165 = tpu.memref_slice %arg9[%add3A_19, %dma_start3A_164] : memref<10112x128xf32, #tpu.memory_space<vmem_shared>> -> memref<128x128xf32, #tpu.memory_space<vmem_shared>>
      %dma_start3A_166 = arith.constant 0 : i32
      %dma_start3A_167 = tpu.memref_slice %arg9[%add3A_19, %dma_start3A_166] : memref<10112x128xf32, #tpu.memory_space<vmem_shared>> -> memref<128x128xf32, #tpu.memory_space<vmem_shared>>
      %dma_start3A_168 = arith.constant 0 : i32
      %dma_start3A_169 = arith.constant 0 : i32
      %dma_start3A_170 = tpu.memref_slice %arg8[%dma_start3A_168, %dma_start3A_169] : memref<128x128xf32, #tpu.memory_space<vmem>> -> memref<128x128xf32, #tpu.memory_space<vmem>>
      tpu.enqueue_dma source(%dma_start3A_170 : memref<128x128xf32, #tpu.memory_space<vmem>>) target(%dma_start3A_167 : memref<128x128xf32, #tpu.memory_space<vmem_shared>>) target_semaphore(%run_scoped3A : memref<!tpu.dma_semaphore, #tpu.memory_space<semaphore_mem>>)
      %dma_wait3A_171 = arith.constant 0 : i32
      %dma_wait3A_172 = arith.constant 0 : i32
      %dma_wait3A_173 = tpu.memref_slice %arg8[%dma_wait3A_171, %dma_wait3A_172] : memref<128x128xf32, #tpu.memory_space<vmem>> -> memref<128x128xf32, #tpu.memory_space<vmem>>
      %dma_wait3A_174 = arith.constant 0 : i32
      %dma_wait3A_175 = tpu.memref_slice %arg9[%add3A_19, %dma_wait3A_174] : memref<10112x128xf32, #tpu.memory_space<vmem_shared>> -> memref<128x128xf32, #tpu.memory_space<vmem_shared>>
      %dma_wait3A_176 = arith.constant 0 : i32
      %dma_wait3A_177 = tpu.memref_slice %arg9[%add3A_19, %dma_wait3A_176] : memref<10112x128xf32, #tpu.memory_space<vmem_shared>> -> memref<128x128xf32, #tpu.memory_space<vmem_shared>>
      %dma_wait3A_178 = arith.constant 0 : i32
      %dma_wait3A_179 = arith.constant 0 : i32
      %dma_wait3A_180 = tpu.memref_slice %arg8[%dma_wait3A_178, %dma_wait3A_179] : memref<128x128xf32, #tpu.memory_space<vmem>> -> memref<128x128xf32, #tpu.memory_space<vmem>>
      tpu.wait_dma2 semaphore(%run_scoped3A : memref<!tpu.dma_semaphore, #tpu.memory_space<semaphore_mem>>) src(%dma_wait3A_180 : memref<128x128xf32, #tpu.memory_space<vmem>>) dst(%dma_wait3A_177 : memref<128x128xf32, #tpu.memory_space<vmem_shared>>)
      tpu.yield
    }) : () -> ()
    %mul3A_20 = arith.constant 632 : i32
    %mul3A_21 = arith.muli %arg1, %mul3A_20 : i32
    %add3A_22 = arith.constant 128 : i32
    %add3A_23 = arith.addi %mul3A_21, %add3A_22 : i32
    "tpu.region"() ({
      %run_scoped3A = tpu.sem_alloc : memref<!tpu.dma_semaphore, #tpu.memory_space<semaphore_mem>>
      %dma_start3A_161 = arith.constant 0 : i32
      %dma_start3A_162 = arith.constant 0 : i32
      %dma_start3A_163 = tpu.memref_slice %arg8[%dma_start3A_161, %dma_start3A_162] : memref<128x128xf32, #tpu.memory_space<vmem>> -> memref<128x128xf32, #tpu.memory_space<vmem>>
      %dma_start3A_164 = arith.constant 0 : i32
      %dma_start3A_165 = tpu.memref_slice %arg9[%add3A_23, %dma_start3A_164] : memref<10112x128xf32, #tpu.memory_space<vmem_shared>> -> memref<128x128xf32, #tpu.memory_space<vmem_shared>>
      %dma_start3A_166 = arith.constant 0 : i32
      %dma_start3A_167 = tpu.memref_slice %arg9[%add3A_23, %dma_start3A_166] : memref<10112x128xf32, #tpu.memory_space<vmem_shared>> -> memref<128x128xf32, #tpu.memory_space<vmem_shared>>
      %dma_start3A_168 = arith.constant 0 : i32
      %dma_start3A_169 = arith.constant 0 : i32
      %dma_start3A_170 = tpu.memref_slice %arg8[%dma_start3A_168, %dma_start3A_169] : memref<128x128xf32, #tpu.memory_space<vmem>> -> memref<128x128xf32, #tpu.memory_space<vmem>>
      tpu.enqueue_dma source(%dma_start3A_170 : memref<128x128xf32, #tpu.memory_space<vmem>>) target(%dma_start3A_167 : memref<128x128xf32, #tpu.memory_space<vmem_shared>>) target_semaphore(%run_scoped3A : memref<!tpu.dma_semaphore, #tpu.memory_space<semaphore_mem>>)
      %dma_wait3A_171 = arith.constant 0 : i32
      %dma_wait3A_172 = arith.constant 0 : i32
      %dma_wait3A_173 = tpu.memref_slice %arg8[%dma_wait3A_171, %dma_wait3A_172] : memref<128x128xf32, #tpu.memory_space<vmem>> -> memref<128x128xf32, #tpu.memory_space<vmem>>
      %dma_wait3A_174 = arith.constant 0 : i32
      %dma_wait3A_175 = tpu.memref_slice %arg9[%add3A_23, %dma_wait3A_174] : memref<10112x128xf32, #tpu.memory_space<vmem_shared>> -> memref<128x128xf32, #tpu.memory_space<vmem_shared>>
      %dma_wait3A_176 = arith.constant 0 : i32
      %dma_wait3A_177 = tpu.memref_slice %arg9[%add3A_23, %dma_wait3A_176] : memref<10112x128xf32, #tpu.memory_space<vmem_shared>> -> memref<128x128xf32, #tpu.memory_space<vmem_shared>>
      %dma_wait3A_178 = arith.constant 0 : i32
      %dma_wait3A_179 = arith.constant 0 : i32
      %dma_wait3A_180 = tpu.memref_slice %arg8[%dma_wait3A_178, %dma_wait3A_179] : memref<128x128xf32, #tpu.memory_space<vmem>> -> memref<128x128xf32, #tpu.memory_space<vmem>>
      tpu.wait_dma2 semaphore(%run_scoped3A : memref<!tpu.dma_semaphore, #tpu.memory_space<semaphore_mem>>) src(%dma_wait3A_180 : memref<128x128xf32, #tpu.memory_space<vmem>>) dst(%dma_wait3A_177 : memref<128x128xf32, #tpu.memory_space<vmem_shared>>)
      tpu.yield
    }) : () -> ()
    %mul3A_24 = arith.constant 632 : i32
    %mul3A_25 = arith.muli %arg1, %mul3A_24 : i32
    %add3A_26 = arith.constant 256 : i32
    %add3A_27 = arith.addi %mul3A_25, %add3A_26 : i32
    "tpu.region"() ({
      %run_scoped3A = tpu.sem_alloc : memref<!tpu.dma_semaphore, #tpu.memory_space<semaphore_mem>>
      %dma_start3A_161 = arith.constant 0 : i32
      %dma_start3A_162 = arith.constant 0 : i32
      %dma_start3A_163 = tpu.memref_slice %arg8[%dma_start3A_161, %dma_start3A_162] : memref<128x128xf32, #tpu.memory_space<vmem>> -> memref<128x128xf32, #tpu.memory_space<vmem>>
      %dma_start3A_164 = arith.constant 0 : i32
      %dma_start3A_165 = tpu.memref_slice %arg9[%add3A_27, %dma_start3A_164] : memref<10112x128xf32, #tpu.memory_space<vmem_shared>> -> memref<128x128xf32, #tpu.memory_space<vmem_shared>>
      %dma_start3A_166 = arith.constant 0 : i32
      %dma_start3A_167 = tpu.memref_slice %arg9[%add3A_27, %dma_start3A_166] : memref<10112x128xf32, #tpu.memory_space<vmem_shared>> -> memref<128x128xf32, #tpu.memory_space<vmem_shared>>
      %dma_start3A_168 = arith.constant 0 : i32
      %dma_start3A_169 = arith.constant 0 : i32
      %dma_start3A_170 = tpu.memref_slice %arg8[%dma_start3A_168, %dma_start3A_169] : memref<128x128xf32, #tpu.memory_space<vmem>> -> memref<128x128xf32, #tpu.memory_space<vmem>>
      tpu.enqueue_dma source(%dma_start3A_170 : memref<128x128xf32, #tpu.memory_space<vmem>>) target(%dma_start3A_167 : memref<128x128xf32, #tpu.memory_space<vmem_shared>>) target_semaphore(%run_scoped3A : memref<!tpu.dma_semaphore, #tpu.memory_space<semaphore_mem>>)
      %dma_wait3A_171 = arith.constant 0 : i32
      %dma_wait3A_172 = arith.constant 0 : i32
      %dma_wait3A_173 = tpu.memref_slice %arg8[%dma_wait3A_171, %dma_wait3A_172] : memref<128x128xf32, #tpu.memory_space<vmem>> -> memref<128x128xf32, #tpu.memory_space<vmem>>
      %dma_wait3A_174 = arith.constant 0 : i32
      %dma_wait3A_175 = tpu.memref_slice %arg9[%add3A_27, %dma_wait3A_174] : memref<10112x128xf32, #tpu.memory_space<vmem_shared>> -> memref<128x128xf32, #tpu.memory_space<vmem_shared>>
      %dma_wait3A_176 = arith.constant 0 : i32
      %dma_wait3A_177 = tpu.memref_slice %arg9[%add3A_27, %dma_wait3A_176] : memref<10112x128xf32, #tpu.memory_space<vmem_shared>> -> memref<128x128xf32, #tpu.memory_space<vmem_shared>>
      %dma_wait3A_178 = arith.constant 0 : i32
      %dma_wait3A_179 = arith.constant 0 : i32
      %dma_wait3A_180 = tpu.memref_slice %arg8[%dma_wait3A_178, %dma_wait3A_179] : memref<128x128xf32, #tpu.memory_space<vmem>> -> memref<128x128xf32, #tpu.memory_space<vmem>>
      tpu.wait_dma2 semaphore(%run_scoped3A : memref<!tpu.dma_semaphore, #tpu.memory_space<semaphore_mem>>) src(%dma_wait3A_180 : memref<128x128xf32, #tpu.memory_space<vmem>>) dst(%dma_wait3A_177 : memref<128x128xf32, #tpu.memory_space<vmem_shared>>)
      tpu.yield
    }) : () -> ()
    %mul3A_28 = arith.constant 632 : i32
    %mul3A_29 = arith.muli %arg1, %mul3A_28 : i32
    %add3A_30 = arith.constant 384 : i32
    %add3A_31 = arith.addi %mul3A_29, %add3A_30 : i32
    "tpu.region"() ({
      %run_scoped3A = tpu.sem_alloc : memref<!tpu.dma_semaphore, #tpu.memory_space<semaphore_mem>>
      %dma_start3A_161 = arith.constant 0 : i32
      %dma_start3A_162 = arith.constant 0 : i32
      %dma_start3A_163 = tpu.memref_slice %arg8[%dma_start3A_161, %dma_start3A_162] : memref<128x128xf32, #tpu.memory_space<vmem>> -> memref<128x128xf32, #tpu.memory_space<vmem>>
      %dma_start3A_164 = arith.constant 0 : i32
      %dma_start3A_165 = tpu.memref_slice %arg9[%add3A_31, %dma_start3A_164] : memref<10112x128xf32, #tpu.memory_space<vmem_shared>> -> memref<128x128xf32, #tpu.memory_space<vmem_shared>>
      %dma_start3A_166 = arith.constant 0 : i32
      %dma_start3A_167 = tpu.memref_slice %arg9[%add3A_31, %dma_start3A_166] : memref<10112x128xf32, #tpu.memory_space<vmem_shared>> -> memref<128x128xf32, #tpu.memory_space<vmem_shared>>
      %dma_start3A_168 = arith.constant 0 : i32
      %dma_start3A_169 = arith.constant 0 : i32
      %dma_start3A_170 = tpu.memref_slice %arg8[%dma_start3A_168, %dma_start3A_169] : memref<128x128xf32, #tpu.memory_space<vmem>> -> memref<128x128xf32, #tpu.memory_space<vmem>>
      tpu.enqueue_dma source(%dma_start3A_170 : memref<128x128xf32, #tpu.memory_space<vmem>>) target(%dma_start3A_167 : memref<128x128xf32, #tpu.memory_space<vmem_shared>>) target_semaphore(%run_scoped3A : memref<!tpu.dma_semaphore, #tpu.memory_space<semaphore_mem>>)
      %dma_wait3A_171 = arith.constant 0 : i32
      %dma_wait3A_172 = arith.constant 0 : i32
      %dma_wait3A_173 = tpu.memref_slice %arg8[%dma_wait3A_171, %dma_wait3A_172] : memref<128x128xf32, #tpu.memory_space<vmem>> -> memref<128x128xf32, #tpu.memory_space<vmem>>
      %dma_wait3A_174 = arith.constant 0 : i32
      %dma_wait3A_175 = tpu.memref_slice %arg9[%add3A_31, %dma_wait3A_174] : memref<10112x128xf32, #tpu.memory_space<vmem_shared>> -> memref<128x128xf32, #tpu.memory_space<vmem_shared>>
      %dma_wait3A_176 = arith.constant 0 : i32
      %dma_wait3A_177 = tpu.memref_slice %arg9[%add3A_31, %dma_wait3A_176] : memref<10112x128xf32, #tpu.memory_space<vmem_shared>> -> memref<128x128xf32, #tpu.memory_space<vmem_shared>>
      %dma_wait3A_178 = arith.constant 0 : i32
      %dma_wait3A_179 = arith.constant 0 : i32
      %dma_wait3A_180 = tpu.memref_slice %arg8[%dma_wait3A_178, %dma_wait3A_179] : memref<128x128xf32, #tpu.memory_space<vmem>> -> memref<128x128xf32, #tpu.memory_space<vmem>>
      tpu.wait_dma2 semaphore(%run_scoped3A : memref<!tpu.dma_semaphore, #tpu.memory_space<semaphore_mem>>) src(%dma_wait3A_180 : memref<128x128xf32, #tpu.memory_space<vmem>>) dst(%dma_wait3A_177 : memref<128x128xf32, #tpu.memory_space<vmem_shared>>)
      tpu.yield
    }) : () -> ()
    %mul3A_32 = arith.constant 632 : i32
    %mul3A_33 = arith.muli %arg1, %mul3A_32 : i32
    %add3A_34 = arith.constant 512 : i32
    %add3A_35 = arith.addi %mul3A_33, %add3A_34 : i32
    "tpu.region"() ({
      %run_scoped3A = tpu.sem_alloc : memref<!tpu.dma_semaphore, #tpu.memory_space<semaphore_mem>>
      %dma_start3A_161 = arith.constant 0 : i32
      %dma_start3A_162 = arith.constant 0 : i32
      %dma_start3A_163 = tpu.memref_slice %arg8[%dma_start3A_161, %dma_start3A_162] : memref<128x128xf32, #tpu.memory_space<vmem>> -> memref<120x128xf32, #tpu.memory_space<vmem>>
      %dma_start3A_164 = arith.constant 0 : i32
      %dma_start3A_165 = tpu.memref_slice %arg9[%add3A_35, %dma_start3A_164] : memref<10112x128xf32, #tpu.memory_space<vmem_shared>> -> memref<120x128xf32, #tpu.memory_space<vmem_shared>>
      %dma_start3A_166 = arith.constant 0 : i32
      %dma_start3A_167 = tpu.memref_slice %arg9[%add3A_35, %dma_start3A_166] : memref<10112x128xf32, #tpu.memory_space<vmem_shared>> -> memref<120x128xf32, #tpu.memory_space<vmem_shared>>
      %dma_start3A_168 = arith.constant 0 : i32
      %dma_start3A_169 = arith.constant 0 : i32
      %dma_start3A_170 = tpu.memref_slice %arg8[%dma_start3A_168, %dma_start3A_169] : memref<128x128xf32, #tpu.memory_space<vmem>> -> memref<120x128xf32, #tpu.memory_space<vmem>>
      tpu.enqueue_dma source(%dma_start3A_170 : memref<120x128xf32, #tpu.memory_space<vmem>>) target(%dma_start3A_167 : memref<120x128xf32, #tpu.memory_space<vmem_shared>>) target_semaphore(%run_scoped3A : memref<!tpu.dma_semaphore, #tpu.memory_space<semaphore_mem>>)
      %dma_wait3A_171 = arith.constant 0 : i32
      %dma_wait3A_172 = arith.constant 0 : i32
      %dma_wait3A_173 = tpu.memref_slice %arg8[%dma_wait3A_171, %dma_wait3A_172] : memref<128x128xf32, #tpu.memory_space<vmem>> -> memref<120x128xf32, #tpu.memory_space<vmem>>
      %dma_wait3A_174 = arith.constant 0 : i32
      %dma_wait3A_175 = tpu.memref_slice %arg9[%add3A_35, %dma_wait3A_174] : memref<10112x128xf32, #tpu.memory_space<vmem_shared>> -> memref<120x128xf32, #tpu.memory_space<vmem_shared>>
      %dma_wait3A_176 = arith.constant 0 : i32
      %dma_wait3A_177 = tpu.memref_slice %arg9[%add3A_35, %dma_wait3A_176] : memref<10112x128xf32, #tpu.memory_space<vmem_shared>> -> memref<120x128xf32, #tpu.memory_space<vmem_shared>>
      %dma_wait3A_178 = arith.constant 0 : i32
      %dma_wait3A_179 = arith.constant 0 : i32
      %dma_wait3A_180 = tpu.memref_slice %arg8[%dma_wait3A_178, %dma_wait3A_179] : memref<128x128xf32, #tpu.memory_space<vmem>> -> memref<120x128xf32, #tpu.memory_space<vmem>>
      tpu.wait_dma2 semaphore(%run_scoped3A : memref<!tpu.dma_semaphore, #tpu.memory_space<semaphore_mem>>) src(%dma_wait3A_180 : memref<120x128xf32, #tpu.memory_space<vmem>>) dst(%dma_wait3A_177 : memref<120x128xf32, #tpu.memory_space<vmem_shared>>)
      tpu.yield
    }) : () -> ()
    %add3A_36 = arith.constant 0 : i32
    %add3A_37 = arith.addi %mul3A_6, %add3A_36 : i32
    %dma_start3A = arith.constant 0 : i32
    %dma_start3A_38 = arith.constant 0 : i32
    %dma_start3A_39 = arith.constant 0 : i32
    %dma_start3A_40 = tpu.memref_slice %arg5[%dma_start3A_38, %dma_start3A_39] : memref<4x128xi32, #tpu.memory_space<vmem>> -> memref<1x128xi32, #tpu.memory_space<vmem>>
    %dma_start3A_41 = tpu.memref_squeeze %dma_start3A_40 : memref<1x128xi32, #tpu.memory_space<vmem>> -> memref<128xi32, #tpu.memory_space<vmem>>
    %dma_start3A_42 = tpu.memref_slice %arg3[%dma_start3A, %add3A_37] : memref<2x320000xi32, #tpu.memory_space<hbm>> -> memref<1x128xi32, #tpu.memory_space<hbm>>
    %dma_start3A_43 = tpu.memref_squeeze %dma_start3A_42 : memref<1x128xi32, #tpu.memory_space<hbm>> -> memref<128xi32, #tpu.memory_space<hbm>>
    %dma_start3A_44 = arith.constant 0 : i32
    %dma_start3A_45 = tpu.memref_slice %arg5[%dma_start3A_38, %dma_start3A_44] : memref<4x128xi32, #tpu.memory_space<vmem>> -> memref<1x128xi32, #tpu.memory_space<vmem>>
    %dma_start3A_46 = tpu.memref_squeeze %dma_start3A_45 : memref<1x128xi32, #tpu.memory_space<vmem>> -> memref<128xi32, #tpu.memory_space<vmem>>
    %dma_start3A_47 = tpu.memref_slice %arg3[%dma_start3A, %add3A_37] : memref<2x320000xi32, #tpu.memory_space<hbm>> -> memref<1x128xi32, #tpu.memory_space<hbm>>
    %dma_start3A_48 = tpu.memref_squeeze %dma_start3A_47 : memref<1x128xi32, #tpu.memory_space<hbm>> -> memref<128xi32, #tpu.memory_space<hbm>>
    tpu.enqueue_dma source(%dma_start3A_48 : memref<128xi32, #tpu.memory_space<hbm>>) target(%dma_start3A_46 : memref<128xi32, #tpu.memory_space<vmem>>) target_semaphore(%arg10 : memref<!tpu.dma_semaphore, #tpu.memory_space<semaphore_mem>>)
    %dma_start3A_49 = arith.constant 1 : i32
    %dma_start3A_50 = arith.constant 0 : i32
    %dma_start3A_51 = arith.constant 0 : i32
    %dma_start3A_52 = tpu.memref_slice %arg6[%dma_start3A_50, %dma_start3A_51] : memref<4x128xi32, #tpu.memory_space<vmem>> -> memref<1x128xi32, #tpu.memory_space<vmem>>
    %dma_start3A_53 = tpu.memref_squeeze %dma_start3A_52 : memref<1x128xi32, #tpu.memory_space<vmem>> -> memref<128xi32, #tpu.memory_space<vmem>>
    %dma_start3A_54 = tpu.memref_slice %arg3[%dma_start3A_49, %add3A_37] : memref<2x320000xi32, #tpu.memory_space<hbm>> -> memref<1x128xi32, #tpu.memory_space<hbm>>
    %dma_start3A_55 = tpu.memref_squeeze %dma_start3A_54 : memref<1x128xi32, #tpu.memory_space<hbm>> -> memref<128xi32, #tpu.memory_space<hbm>>
    %dma_start3A_56 = arith.constant 0 : i32
    %dma_start3A_57 = tpu.memref_slice %arg6[%dma_start3A_50, %dma_start3A_56] : memref<4x128xi32, #tpu.memory_space<vmem>> -> memref<1x128xi32, #tpu.memory_space<vmem>>
    %dma_start3A_58 = tpu.memref_squeeze %dma_start3A_57 : memref<1x128xi32, #tpu.memory_space<vmem>> -> memref<128xi32, #tpu.memory_space<vmem>>
    %dma_start3A_59 = tpu.memref_slice %arg3[%dma_start3A_49, %add3A_37] : memref<2x320000xi32, #tpu.memory_space<hbm>> -> memref<1x128xi32, #tpu.memory_space<hbm>>
    %dma_start3A_60 = tpu.memref_squeeze %dma_start3A_59 : memref<1x128xi32, #tpu.memory_space<hbm>> -> memref<128xi32, #tpu.memory_space<hbm>>
    tpu.enqueue_dma source(%dma_start3A_60 : memref<128xi32, #tpu.memory_space<hbm>>) target(%dma_start3A_58 : memref<128xi32, #tpu.memory_space<vmem>>) target_semaphore(%arg10 : memref<!tpu.dma_semaphore, #tpu.memory_space<semaphore_mem>>)
    %dma_wait3A = arith.constant 0 : i32
    %dma_wait3A_61 = arith.constant 0 : i32
    %dma_wait3A_62 = arith.constant 0 : i32
    %dma_wait3A_63 = tpu.memref_slice %arg5[%dma_wait3A_61, %dma_wait3A_62] : memref<4x128xi32, #tpu.memory_space<vmem>> -> memref<1x128xi32, #tpu.memory_space<vmem>>
    %dma_wait3A_64 = tpu.memref_squeeze %dma_wait3A_63 : memref<1x128xi32, #tpu.memory_space<vmem>> -> memref<128xi32, #tpu.memory_space<vmem>>
    %dma_wait3A_65 = arith.constant 0 : i32
    %dma_wait3A_66 = tpu.memref_slice %arg3[%dma_wait3A, %dma_wait3A_65] : memref<2x320000xi32, #tpu.memory_space<hbm>> -> memref<1x128xi32, #tpu.memory_space<hbm>>
    %dma_wait3A_67 = tpu.memref_squeeze %dma_wait3A_66 : memref<1x128xi32, #tpu.memory_space<hbm>> -> memref<128xi32, #tpu.memory_space<hbm>>
    %dma_wait3A_68 = arith.constant 0 : i32
    %dma_wait3A_69 = tpu.memref_slice %arg5[%dma_wait3A_61, %dma_wait3A_68] : memref<4x128xi32, #tpu.memory_space<vmem>> -> memref<1x128xi32, #tpu.memory_space<vmem>>
    %dma_wait3A_70 = tpu.memref_squeeze %dma_wait3A_69 : memref<1x128xi32, #tpu.memory_space<vmem>> -> memref<128xi32, #tpu.memory_space<vmem>>
    %dma_wait3A_71 = arith.constant 0 : i32
    %dma_wait3A_72 = tpu.memref_slice %arg3[%dma_wait3A, %dma_wait3A_71] : memref<2x320000xi32, #tpu.memory_space<hbm>> -> memref<1x128xi32, #tpu.memory_space<hbm>>
    %dma_wait3A_73 = tpu.memref_squeeze %dma_wait3A_72 : memref<1x128xi32, #tpu.memory_space<hbm>> -> memref<128xi32, #tpu.memory_space<hbm>>
    tpu.wait_dma2 semaphore(%arg10 : memref<!tpu.dma_semaphore, #tpu.memory_space<semaphore_mem>>) src(%dma_wait3A_73 : memref<128xi32, #tpu.memory_space<hbm>>) dst(%dma_wait3A_70 : memref<128xi32, #tpu.memory_space<vmem>>)
    %dma_wait3A_74 = arith.constant 1 : i32
    %dma_wait3A_75 = arith.constant 0 : i32
    %dma_wait3A_76 = arith.constant 0 : i32
    %dma_wait3A_77 = tpu.memref_slice %arg6[%dma_wait3A_75, %dma_wait3A_76] : memref<4x128xi32, #tpu.memory_space<vmem>> -> memref<1x128xi32, #tpu.memory_space<vmem>>
    %dma_wait3A_78 = tpu.memref_squeeze %dma_wait3A_77 : memref<1x128xi32, #tpu.memory_space<vmem>> -> memref<128xi32, #tpu.memory_space<vmem>>
    %dma_wait3A_79 = arith.constant 0 : i32
    %dma_wait3A_80 = tpu.memref_slice %arg3[%dma_wait3A_74, %dma_wait3A_79] : memref<2x320000xi32, #tpu.memory_space<hbm>> -> memref<1x128xi32, #tpu.memory_space<hbm>>
    %dma_wait3A_81 = tpu.memref_squeeze %dma_wait3A_80 : memref<1x128xi32, #tpu.memory_space<hbm>> -> memref<128xi32, #tpu.memory_space<hbm>>
    %dma_wait3A_82 = arith.constant 0 : i32
    %dma_wait3A_83 = tpu.memref_slice %arg6[%dma_wait3A_75, %dma_wait3A_82] : memref<4x128xi32, #tpu.memory_space<vmem>> -> memref<1x128xi32, #tpu.memory_space<vmem>>
    %dma_wait3A_84 = tpu.memref_squeeze %dma_wait3A_83 : memref<1x128xi32, #tpu.memory_space<vmem>> -> memref<128xi32, #tpu.memory_space<vmem>>
    %dma_wait3A_85 = arith.constant 0 : i32
    %dma_wait3A_86 = tpu.memref_slice %arg3[%dma_wait3A_74, %dma_wait3A_85] : memref<2x320000xi32, #tpu.memory_space<hbm>> -> memref<1x128xi32, #tpu.memory_space<hbm>>
    %dma_wait3A_87 = tpu.memref_squeeze %dma_wait3A_86 : memref<1x128xi32, #tpu.memory_space<hbm>> -> memref<128xi32, #tpu.memory_space<hbm>>
    tpu.wait_dma2 semaphore(%arg10 : memref<!tpu.dma_semaphore, #tpu.memory_space<semaphore_mem>>) src(%dma_wait3A_87 : memref<128xi32, #tpu.memory_space<hbm>>) dst(%dma_wait3A_84 : memref<128xi32, #tpu.memory_space<vmem>>)
    %add3A_88 = arith.constant 128 : i32
    %add3A_89 = arith.addi %mul3A_6, %add3A_88 : i32
    %dma_start3A_90 = arith.constant 0 : i32
    %dma_start3A_91 = arith.constant 1 : i32
    %dma_start3A_92 = arith.constant 0 : i32
    %dma_start3A_93 = tpu.memref_slice %arg5[%dma_start3A_91, %dma_start3A_92] : memref<4x128xi32, #tpu.memory_space<vmem>> -> memref<1x128xi32, #tpu.memory_space<vmem>>
    %dma_start3A_94 = tpu.memref_squeeze %dma_start3A_93 : memref<1x128xi32, #tpu.memory_space<vmem>> -> memref<128xi32, #tpu.memory_space<vmem>>
    %dma_start3A_95 = tpu.memref_slice %arg3[%dma_start3A_90, %add3A_89] : memref<2x320000xi32, #tpu.memory_space<hbm>> -> memref<1x128xi32, #tpu.memory_space<hbm>>
    %dma_start3A_96 = tpu.memref_squeeze %dma_start3A_95 : memref<1x128xi32, #tpu.memory_space<hbm>> -> memref<128xi32, #tpu.memory_space<hbm>>
    %dma_start3A_97 = arith.constant 0 : i32
    %dma_start3A_98 = tpu.memref_slice %arg5[%dma_start3A_91, %dma_start3A_97] : memref<4x128xi32, #tpu.memory_space<vmem>> -> memref<1x128xi32, #tpu.memory_space<vmem>>
    %dma_start3A_99 = tpu.memref_squeeze %dma_start3A_98 : memref<1x128xi32, #tpu.memory_space<vmem>> -> memref<128xi32, #tpu.memory_space<vmem>>
    %dma_start3A_100 = tpu.memref_slice %arg3[%dma_start3A_90, %add3A_89] : memref<2x320000xi32, #tpu.memory_space<hbm>> -> memref<1x128xi32, #tpu.memory_space<hbm>>
    %dma_start3A_101 = tpu.memref_squeeze %dma_start3A_100 : memref<1x128xi32, #tpu.memory_space<hbm>> -> memref<128xi32, #tpu.memory_space<hbm>>
    tpu.enqueue_dma source(%dma_start3A_101 : memref<128xi32, #tpu.memory_space<hbm>>) target(%dma_start3A_99 : memref<128xi32, #tpu.memory_space<vmem>>) target_semaphore(%arg11 : memref<!tpu.dma_semaphore, #tpu.memory_space<semaphore_mem>>)
    %dma_start3A_102 = arith.constant 1 : i32
    %dma_start3A_103 = arith.constant 1 : i32
    %dma_start3A_104 = arith.constant 0 : i32
    %dma_start3A_105 = tpu.memref_slice %arg6[%dma_start3A_103, %dma_start3A_104] : memref<4x128xi32, #tpu.memory_space<vmem>> -> memref<1x128xi32, #tpu.memory_space<vmem>>
    %dma_start3A_106 = tpu.memref_squeeze %dma_start3A_105 : memref<1x128xi32, #tpu.memory_space<vmem>> -> memref<128xi32, #tpu.memory_space<vmem>>
    %dma_start3A_107 = tpu.memref_slice %arg3[%dma_start3A_102, %add3A_89] : memref<2x320000xi32, #tpu.memory_space<hbm>> -> memref<1x128xi32, #tpu.memory_space<hbm>>
    %dma_start3A_108 = tpu.memref_squeeze %dma_start3A_107 : memref<1x128xi32, #tpu.memory_space<hbm>> -> memref<128xi32, #tpu.memory_space<hbm>>
    %dma_start3A_109 = arith.constant 0 : i32
    %dma_start3A_110 = tpu.memref_slice %arg6[%dma_start3A_103, %dma_start3A_109] : memref<4x128xi32, #tpu.memory_space<vmem>> -> memref<1x128xi32, #tpu.memory_space<vmem>>
    %dma_start3A_111 = tpu.memref_squeeze %dma_start3A_110 : memref<1x128xi32, #tpu.memory_space<vmem>> -> memref<128xi32, #tpu.memory_space<vmem>>
    %dma_start3A_112 = tpu.memref_slice %arg3[%dma_start3A_102, %add3A_89] : memref<2x320000xi32, #tpu.memory_space<hbm>> -> memref<1x128xi32, #tpu.memory_space<hbm>>
    %dma_start3A_113 = tpu.memref_squeeze %dma_start3A_112 : memref<1x128xi32, #tpu.memory_space<hbm>> -> memref<128xi32, #tpu.memory_space<hbm>>
    tpu.enqueue_dma source(%dma_start3A_113 : memref<128xi32, #tpu.memory_space<hbm>>) target(%dma_start3A_111 : memref<128xi32, #tpu.memory_space<vmem>>) target_semaphore(%arg11 : memref<!tpu.dma_semaphore, #tpu.memory_space<semaphore_mem>>)
    %add3A_114 = arith.constant 256 : i32
    %add3A_115 = arith.addi %mul3A_6, %add3A_114 : i32
    %dma_start3A_116 = arith.constant 0 : i32
    %dma_start3A_117 = arith.constant 2 : i32
    %dma_start3A_118 = arith.constant 0 : i32
    %dma_start3A_119 = tpu.memref_slice %arg5[%dma_start3A_117, %dma_start3A_118] : memref<4x128xi32, #tpu.memory_space<vmem>> -> memref<1x128xi32, #tpu.memory_space<vmem>>
    %dma_start3A_120 = tpu.memref_squeeze %dma_start3A_119 : memref<1x128xi32, #tpu.memory_space<vmem>> -> memref<128xi32, #tpu.memory_space<vmem>>
    %dma_start3A_121 = tpu.memref_slice %arg3[%dma_start3A_116, %add3A_115] : memref<2x320000xi32, #tpu.memory_space<hbm>> -> memref<1x128xi32, #tpu.memory_space<hbm>>
    %dma_start3A_122 = tpu.memref_squeeze %dma_start3A_121 : memref<1x128xi32, #tpu.memory_space<hbm>> -> memref<128xi32, #tpu.memory_space<hbm>>
    %dma_start3A_123 = arith.constant 0 : i32
    %dma_start3A_124 = tpu.memref_slice %arg5[%dma_start3A_117, %dma_start3A_123] : memref<4x128xi32, #tpu.memory_space<vmem>> -> memref<1x128xi32, #tpu.memory_space<vmem>>
    %dma_start3A_125 = tpu.memref_squeeze %dma_start3A_124 : memref<1x128xi32, #tpu.memory_space<vmem>> -> memref<128xi32, #tpu.memory_space<vmem>>
    %dma_start3A_126 = tpu.memref_slice %arg3[%dma_start3A_116, %add3A_115] : memref<2x320000xi32, #tpu.memory_space<hbm>> -> memref<1x128xi32, #tpu.memory_space<hbm>>
    %dma_start3A_127 = tpu.memref_squeeze %dma_start3A_126 : memref<1x128xi32, #tpu.memory_space<hbm>> -> memref<128xi32, #tpu.memory_space<hbm>>
    tpu.enqueue_dma source(%dma_start3A_127 : memref<128xi32, #tpu.memory_space<hbm>>) target(%dma_start3A_125 : memref<128xi32, #tpu.memory_space<vmem>>) target_semaphore(%arg10 : memref<!tpu.dma_semaphore, #tpu.memory_space<semaphore_mem>>)
    %dma_start3A_128 = arith.constant 1 : i32
    %dma_start3A_129 = arith.constant 2 : i32
    %dma_start3A_130 = arith.constant 0 : i32
    %dma_start3A_131 = tpu.memref_slice %arg6[%dma_start3A_129, %dma_start3A_130] : memref<4x128xi32, #tpu.memory_space<vmem>> -> memref<1x128xi32, #tpu.memory_space<vmem>>
    %dma_start3A_132 = tpu.memref_squeeze %dma_start3A_131 : memref<1x128xi32, #tpu.memory_space<vmem>> -> memref<128xi32, #tpu.memory_space<vmem>>
    %dma_start3A_133 = tpu.memref_slice %arg3[%dma_start3A_128, %add3A_115] : memref<2x320000xi32, #tpu.memory_space<hbm>> -> memref<1x128xi32, #tpu.memory_space<hbm>>
    %dma_start3A_134 = tpu.memref_squeeze %dma_start3A_133 : memref<1x128xi32, #tpu.memory_space<hbm>> -> memref<128xi32, #tpu.memory_space<hbm>>
    %dma_start3A_135 = arith.constant 0 : i32
    %dma_start3A_136 = tpu.memref_slice %arg6[%dma_start3A_129, %dma_start3A_135] : memref<4x128xi32, #tpu.memory_space<vmem>> -> memref<1x128xi32, #tpu.memory_space<vmem>>
    %dma_start3A_137 = tpu.memref_squeeze %dma_start3A_136 : memref<1x128xi32, #tpu.memory_space<vmem>> -> memref<128xi32, #tpu.memory_space<vmem>>
    %dma_start3A_138 = tpu.memref_slice %arg3[%dma_start3A_128, %add3A_115] : memref<2x320000xi32, #tpu.memory_space<hbm>> -> memref<1x128xi32, #tpu.memory_space<hbm>>
    %dma_start3A_139 = tpu.memref_squeeze %dma_start3A_138 : memref<1x128xi32, #tpu.memory_space<hbm>> -> memref<128xi32, #tpu.memory_space<hbm>>
    tpu.enqueue_dma source(%dma_start3A_139 : memref<128xi32, #tpu.memory_space<hbm>>) target(%dma_start3A_137 : memref<128xi32, #tpu.memory_space<vmem>>) target_semaphore(%arg10 : memref<!tpu.dma_semaphore, #tpu.memory_space<semaphore_mem>>)
    %barrier3A = arith.constant 0 : index
    tpu.barrier barrier_id(%barrier3A)
    %dma_start3A_140 = arith.constant 0 : i32
    %dma_start3A_141 = arith.constant 0 : i32
    %dma_start3A_142 = tpu.memref_slice %arg5[%dma_start3A_140, %dma_start3A_141] : memref<4x128xi32, #tpu.memory_space<vmem>> -> memref<1x128xi32, #tpu.memory_space<vmem>>
    %dma_start3A_143 = tpu.memref_squeeze %dma_start3A_142 : memref<1x128xi32, #tpu.memory_space<vmem>> -> memref<128xi32, #tpu.memory_space<vmem>>
    %dma_start3A_144 = arith.constant 0 : i32
    %dma_start3A_145 = arith.constant 0 : i32
    %dma_start3A_146 = tpu.memref_slice %arg2[%dma_start3A_144, %dma_start3A_145] : memref<10112x128xf32, #tpu.memory_space<hbm>> -> memref<10112x128xf32, #tpu.memory_space<hbm>>
    tpu.enqueue_indirect_dma source(%dma_start3A_146 : memref<10112x128xf32, #tpu.memory_space<hbm>>) target(%arg7 : memref<128x128xf32, #tpu.memory_space<vmem>>) offsets(%dma_start3A_143 : memref<128xi32, #tpu.memory_space<vmem>>) semaphore(%arg12 : memref<!tpu.dma_semaphore, #tpu.memory_space<semaphore_mem>>)
    %scan3A_147 = arith.constant 0 : i32
    %scan3A_148 = arith.constant 0 : i32
    %scan3A_149 = arith.constant 39 : i32
    %scan3A_150 = arith.addi %scan3A_148, %scan3A_149 : i32
    %scan3A_151 = arith.constant 1 : i32
    scf.for %scan3A_161 = %scan3A_148 to %scan3A_150 step %scan3A_151  : i32 {
      %mul3A_162 = arith.constant 2 : i32
      %mul3A_163 = arith.muli %mul3A_162, %scan3A_161 : i32
      %rem3A = arith.constant 4 : i32
      %rem3A_164 = arith.remsi %mul3A_163, %rem3A : i32
      %add3A_165 = arith.constant 1 : i32
      %add3A_166 = arith.addi %mul3A_163, %add3A_165 : i32
      %rem3A_167 = arith.constant 4 : i32
      %rem3A_168 = arith.remsi %add3A_166, %rem3A_167 : i32
      %add3A_169 = arith.constant 2 : i32
      %add3A_170 = arith.addi %mul3A_163, %add3A_169 : i32
      %rem3A_171 = arith.constant 4 : i32
      %rem3A_172 = arith.remsi %add3A_170, %rem3A_171 : i32
      %add3A_173 = arith.constant 3 : i32
      %add3A_174 = arith.addi %mul3A_163, %add3A_173 : i32
      %rem3A_175 = arith.constant 4 : i32
      %rem3A_176 = arith.remsi %add3A_174, %rem3A_175 : i32
      %dma_wait3A_177 = arith.constant 0 : i32
      %dma_wait3A_178 = arith.constant 0 : i32
      %dma_wait3A_179 = arith.constant 0 : i32
      %dma_wait3A_180 = tpu.memref_slice %arg5[%dma_wait3A_178, %dma_wait3A_179] : memref<4x128xi32, #tpu.memory_space<vmem>> -> memref<1x128xi32, #tpu.memory_space<vmem>>
      %dma_wait3A_181 = tpu.memref_squeeze %dma_wait3A_180 : memref<1x128xi32, #tpu.memory_space<vmem>> -> memref<128xi32, #tpu.memory_space<vmem>>
      %dma_wait3A_182 = arith.constant 0 : i32
      %dma_wait3A_183 = tpu.memref_slice %arg3[%dma_wait3A_177, %dma_wait3A_182] : memref<2x320000xi32, #tpu.memory_space<hbm>> -> memref<1x128xi32, #tpu.memory_space<hbm>>
      %dma_wait3A_184 = tpu.memref_squeeze %dma_wait3A_183 : memref<1x128xi32, #tpu.memory_space<hbm>> -> memref<128xi32, #tpu.memory_space<hbm>>
      %dma_wait3A_185 = arith.constant 0 : i32
      %dma_wait3A_186 = tpu.memref_slice %arg5[%dma_wait3A_178, %dma_wait3A_185] : memref<4x128xi32, #tpu.memory_space<vmem>> -> memref<1x128xi32, #tpu.memory_space<vmem>>
      %dma_wait3A_187 = tpu.memref_squeeze %dma_wait3A_186 : memref<1x128xi32, #tpu.memory_space<vmem>> -> memref<128xi32, #tpu.memory_space<vmem>>
      %dma_wait3A_188 = arith.constant 0 : i32
      %dma_wait3A_189 = tpu.memref_slice %arg3[%dma_wait3A_177, %dma_wait3A_188] : memref<2x320000xi32, #tpu.memory_space<hbm>> -> memref<1x128xi32, #tpu.memory_space<hbm>>
      %dma_wait3A_190 = tpu.memref_squeeze %dma_wait3A_189 : memref<1x128xi32, #tpu.memory_space<hbm>> -> memref<128xi32, #tpu.memory_space<hbm>>
      tpu.wait_dma2 semaphore(%arg11 : memref<!tpu.dma_semaphore, #tpu.memory_space<semaphore_mem>>) src(%dma_wait3A_190 : memref<128xi32, #tpu.memory_space<hbm>>) dst(%dma_wait3A_187 : memref<128xi32, #tpu.memory_space<vmem>>)
      %dma_wait3A_191 = arith.constant 1 : i32
      %dma_wait3A_192 = arith.constant 0 : i32
      %dma_wait3A_193 = arith.constant 0 : i32
      %dma_wait3A_194 = tpu.memref_slice %arg6[%dma_wait3A_192, %dma_wait3A_193] : memref<4x128xi32, #tpu.memory_space<vmem>> -> memref<1x128xi32, #tpu.memory_space<vmem>>
      %dma_wait3A_195 = tpu.memref_squeeze %dma_wait3A_194 : memref<1x128xi32, #tpu.memory_space<vmem>> -> memref<128xi32, #tpu.memory_space<vmem>>
      %dma_wait3A_196 = arith.constant 0 : i32
      %dma_wait3A_197 = tpu.memref_slice %arg3[%dma_wait3A_191, %dma_wait3A_196] : memref<2x320000xi32, #tpu.memory_space<hbm>> -> memref<1x128xi32, #tpu.memory_space<hbm>>
      %dma_wait3A_198 = tpu.memref_squeeze %dma_wait3A_197 : memref<1x128xi32, #tpu.memory_space<hbm>> -> memref<128xi32, #tpu.memory_space<hbm>>
      %dma_wait3A_199 = arith.constant 0 : i32
      %dma_wait3A_200 = tpu.memref_slice %arg6[%dma_wait3A_192, %dma_wait3A_199] : memref<4x128xi32, #tpu.memory_space<vmem>> -> memref<1x128xi32, #tpu.memory_space<vmem>>
      %dma_wait3A_201 = tpu.memref_squeeze %dma_wait3A_200 : memref<1x128xi32, #tpu.memory_space<vmem>> -> memref<128xi32, #tpu.memory_space<vmem>>
      %dma_wait3A_202 = arith.constant 0 : i32
      %dma_wait3A_203 = tpu.memref_slice %arg3[%dma_wait3A_191, %dma_wait3A_202] : memref<2x320000xi32, #tpu.memory_space<hbm>> -> memref<1x128xi32, #tpu.memory_space<hbm>>
      %dma_wait3A_204 = tpu.memref_squeeze %dma_wait3A_203 : memref<1x128xi32, #tpu.memory_space<hbm>> -> memref<128xi32, #tpu.memory_space<hbm>>
      tpu.wait_dma2 semaphore(%arg11 : memref<!tpu.dma_semaphore, #tpu.memory_space<semaphore_mem>>) src(%dma_wait3A_204 : memref<128xi32, #tpu.memory_space<hbm>>) dst(%dma_wait3A_201 : memref<128xi32, #tpu.memory_space<vmem>>)
      %dma_start3A_205 = arith.constant 0 : i32
      %dma_start3A_206 = tpu.memref_slice %arg5[%rem3A_168, %dma_start3A_205] : memref<4x128xi32, #tpu.memory_space<vmem>> -> memref<1x128xi32, #tpu.memory_space<vmem>>
      %dma_start3A_207 = tpu.memref_squeeze %dma_start3A_206 : memref<1x128xi32, #tpu.memory_space<vmem>> -> memref<128xi32, #tpu.memory_space<vmem>>
      %dma_start3A_208 = arith.constant 0 : i32
      %dma_start3A_209 = arith.constant 0 : i32
      %dma_start3A_210 = tpu.memref_slice %arg2[%dma_start3A_208, %dma_start3A_209] : memref<10112x128xf32, #tpu.memory_space<hbm>> -> memref<10112x128xf32, #tpu.memory_space<hbm>>
      tpu.enqueue_indirect_dma source(%dma_start3A_210 : memref<10112x128xf32, #tpu.memory_space<hbm>>) target(%arg8 : memref<128x128xf32, #tpu.memory_space<vmem>>) offsets(%dma_start3A_207 : memref<128xi32, #tpu.memory_space<vmem>>) semaphore(%arg13 : memref<!tpu.dma_semaphore, #tpu.memory_space<semaphore_mem>>)
      %add3A_211 = arith.constant 3 : i32
      %add3A_212 = arith.addi %mul3A_163, %add3A_211 : i32
      %lt3A_213 = arith.cmpi slt, %add3A_212, %add3A_10 : i32
      %convert_element_type3A_214 = arith.extui %lt3A_213 : i1 to i32
      %cond3A_215 = arith.constant 0 : i32
      %cond3A_216 = arith.cmpi ne, %convert_element_type3A_214, %cond3A_215 : i32
      scf.if %cond3A_216 {
        %add3A_237 = arith.constant 3 : i32
        %add3A_238 = arith.addi %mul3A_163, %add3A_237 : i32
        %mul3A_239 = arith.constant 128 : i32
        %mul3A_240 = arith.muli %add3A_238, %mul3A_239 : i32
        %add3A_241 = arith.addi %mul3A_6, %mul3A_240 : i32
        %dma_start3A_242 = arith.constant 0 : i32
        %dma_start3A_243 = arith.constant 0 : i32
        %dma_start3A_244 = tpu.memref_slice %arg5[%rem3A_176, %dma_start3A_243] : memref<4x128xi32, #tpu.memory_space<vmem>> -> memref<1x128xi32, #tpu.memory_space<vmem>>
        %dma_start3A_245 = tpu.memref_squeeze %dma_start3A_244 : memref<1x128xi32, #tpu.memory_space<vmem>> -> memref<128xi32, #tpu.memory_space<vmem>>
        %dma_start3A_246 = tpu.memref_slice %arg3[%dma_start3A_242, %add3A_241] : memref<2x320000xi32, #tpu.memory_space<hbm>> -> memref<1x128xi32, #tpu.memory_space<hbm>>
        %dma_start3A_247 = tpu.memref_squeeze %dma_start3A_246 : memref<1x128xi32, #tpu.memory_space<hbm>> -> memref<128xi32, #tpu.memory_space<hbm>>
        %dma_start3A_248 = arith.constant 0 : i32
        %dma_start3A_249 = tpu.memref_slice %arg5[%rem3A_176, %dma_start3A_248] : memref<4x128xi32, #tpu.memory_space<vmem>> -> memref<1x128xi32, #tpu.memory_space<vmem>>
        %dma_start3A_250 = tpu.memref_squeeze %dma_start3A_249 : memref<1x128xi32, #tpu.memory_space<vmem>> -> memref<128xi32, #tpu.memory_space<vmem>>
        %dma_start3A_251 = tpu.memref_slice %arg3[%dma_start3A_242, %add3A_241] : memref<2x320000xi32, #tpu.memory_space<hbm>> -> memref<1x128xi32, #tpu.memory_space<hbm>>
        %dma_start3A_252 = tpu.memref_squeeze %dma_start3A_251 : memref<1x128xi32, #tpu.memory_space<hbm>> -> memref<128xi32, #tpu.memory_space<hbm>>
        tpu.enqueue_dma source(%dma_start3A_252 : memref<128xi32, #tpu.memory_space<hbm>>) target(%dma_start3A_250 : memref<128xi32, #tpu.memory_space<vmem>>) target_semaphore(%arg11 : memref<!tpu.dma_semaphore, #tpu.memory_space<semaphore_mem>>)
        %dma_start3A_253 = arith.constant 1 : i32
        %dma_start3A_254 = arith.constant 0 : i32
        %dma_start3A_255 = tpu.memref_slice %arg6[%rem3A_176, %dma_start3A_254] : memref<4x128xi32, #tpu.memory_space<vmem>> -> memref<1x128xi32, #tpu.memory_space<vmem>>
        %dma_start3A_256 = tpu.memref_squeeze %dma_start3A_255 : memref<1x128xi32, #tpu.memory_space<vmem>> -> memref<128xi32, #tpu.memory_space<vmem>>
        %dma_start3A_257 = tpu.memref_slice %arg3[%dma_start3A_253, %add3A_241] : memref<2x320000xi32, #tpu.memory_space<hbm>> -> memref<1x128xi32, #tpu.memory_space<hbm>>
        %dma_start3A_258 = tpu.memref_squeeze %dma_start3A_257 : memref<1x128xi32, #tpu.memory_space<hbm>> -> memref<128xi32, #tpu.memory_space<hbm>>
        %dma_start3A_259 = arith.constant 0 : i32
        %dma_start3A_260 = tpu.memref_slice %arg6[%rem3A_176, %dma_start3A_259] : memref<4x128xi32, #tpu.memory_space<vmem>> -> memref<1x128xi32, #tpu.memory_space<vmem>>
        %dma_start3A_261 = tpu.memref_squeeze %dma_start3A_260 : memref<1x128xi32, #tpu.memory_space<vmem>> -> memref<128xi32, #tpu.memory_space<vmem>>
        %dma_start3A_262 = tpu.memref_slice %arg3[%dma_start3A_253, %add3A_241] : memref<2x320000xi32, #tpu.memory_space<hbm>> -> memref<1x128xi32, #tpu.memory_space<hbm>>
        %dma_start3A_263 = tpu.memref_squeeze %dma_start3A_262 : memref<1x128xi32, #tpu.memory_space<hbm>> -> memref<128xi32, #tpu.memory_space<hbm>>
        tpu.enqueue_dma source(%dma_start3A_263 : memref<128xi32, #tpu.memory_space<hbm>>) target(%dma_start3A_261 : memref<128xi32, #tpu.memory_space<vmem>>) target_semaphore(%arg11 : memref<!tpu.dma_semaphore, #tpu.memory_space<semaphore_mem>>)
      } else {
      }
      %dma_wait3A_217 = arith.constant 0 : i32
      %dma_wait3A_218 = arith.constant 0 : i32
      %dma_wait3A_219 = tpu.memref_slice %arg5[%dma_wait3A_217, %dma_wait3A_218] : memref<4x128xi32, #tpu.memory_space<vmem>> -> memref<1x128xi32, #tpu.memory_space<vmem>>
      %dma_wait3A_220 = tpu.memref_squeeze %dma_wait3A_219 : memref<1x128xi32, #tpu.memory_space<vmem>> -> memref<128xi32, #tpu.memory_space<vmem>>
      %dma_wait3A_221 = arith.constant 0 : i32
      %dma_wait3A_222 = arith.constant 0 : i32
      %dma_wait3A_223 = tpu.memref_slice %arg2[%dma_wait3A_221, %dma_wait3A_222] : memref<10112x128xf32, #tpu.memory_space<hbm>> -> memref<10112x128xf32, #tpu.memory_space<hbm>>
      tpu.wait_indirect_dma semaphore(%arg12 : memref<!tpu.dma_semaphore, #tpu.memory_space<semaphore_mem>>) src(%dma_wait3A_223 : memref<10112x128xf32, #tpu.memory_space<hbm>>) dst(%arg7 : memref<128x128xf32, #tpu.memory_space<vmem>>)
      "tpu.region"() ({
        %run_scoped3A = tpu.sem_alloc : memref<!tpu.dma_semaphore, #tpu.memory_space<semaphore_mem>>
        %dma_start3A_237 = arith.constant 0 : i32
        %dma_start3A_238 = tpu.memref_slice %arg6[%rem3A_164, %dma_start3A_237] : memref<4x128xi32, #tpu.memory_space<vmem>> -> memref<1x128xi32, #tpu.memory_space<vmem>>
        %dma_start3A_239 = tpu.memref_squeeze %dma_start3A_238 : memref<1x128xi32, #tpu.memory_space<vmem>> -> memref<128xi32, #tpu.memory_space<vmem>>
        %dma_start3A_240 = arith.constant 0 : i32
        %dma_start3A_241 = arith.constant 0 : i32
        %dma_start3A_242 = tpu.memref_slice %arg9[%dma_start3A_240, %dma_start3A_241] : memref<10112x128xf32, #tpu.memory_space<vmem_shared>> -> memref<10112x128xf32, #tpu.memory_space<vmem_shared>>
        tpu.enqueue_indirect_dma source(%arg7 : memref<128x128xf32, #tpu.memory_space<vmem>>) target(%dma_start3A_242 : memref<10112x128xf32, #tpu.memory_space<vmem_shared>>) offsets(%dma_start3A_239 : memref<128xi32, #tpu.memory_space<vmem>>) semaphore(%run_scoped3A : memref<!tpu.dma_semaphore, #tpu.memory_space<semaphore_mem>>) {add = true}
        %dma_wait3A_243 = arith.constant 0 : i32
        %dma_wait3A_244 = tpu.memref_slice %arg6[%rem3A_164, %dma_wait3A_243] : memref<4x128xi32, #tpu.memory_space<vmem>> -> memref<1x128xi32, #tpu.memory_space<vmem>>
        %dma_wait3A_245 = tpu.memref_squeeze %dma_wait3A_244 : memref<1x128xi32, #tpu.memory_space<vmem>> -> memref<128xi32, #tpu.memory_space<vmem>>
        %dma_wait3A_246 = arith.constant 0 : i32
        %dma_wait3A_247 = arith.constant 0 : i32
        %dma_wait3A_248 = tpu.memref_slice %arg9[%dma_wait3A_246, %dma_wait3A_247] : memref<10112x128xf32, #tpu.memory_space<vmem_shared>> -> memref<10112x128xf32, #tpu.memory_space<vmem_shared>>
        tpu.wait_indirect_dma semaphore(%run_scoped3A : memref<!tpu.dma_semaphore, #tpu.memory_space<semaphore_mem>>) src(%arg7 : memref<128x128xf32, #tpu.memory_space<vmem>>) dst(%dma_wait3A_248 : memref<10112x128xf32, #tpu.memory_space<vmem_shared>>)
        tpu.yield
      }) : () -> ()
      %add3A_224 = arith.constant 2 : i32
      %add3A_225 = arith.addi %mul3A_163, %add3A_224 : i32
      %lt3A_226 = arith.cmpi slt, %add3A_225, %add3A_10 : i32
      %convert_element_type3A_227 = arith.extui %lt3A_226 : i1 to i32
      %cond3A_228 = arith.constant 0 : i32
      %cond3A_229 = arith.cmpi ne, %convert_element_type3A_227, %cond3A_228 : i32
      scf.if %cond3A_229 {
        %dma_wait3A_237 = arith.constant 0 : i32
        %dma_wait3A_238 = arith.constant 0 : i32
        %dma_wait3A_239 = arith.constant 0 : i32
        %dma_wait3A_240 = tpu.memref_slice %arg5[%dma_wait3A_238, %dma_wait3A_239] : memref<4x128xi32, #tpu.memory_space<vmem>> -> memref<1x128xi32, #tpu.memory_space<vmem>>
        %dma_wait3A_241 = tpu.memref_squeeze %dma_wait3A_240 : memref<1x128xi32, #tpu.memory_space<vmem>> -> memref<128xi32, #tpu.memory_space<vmem>>
        %dma_wait3A_242 = arith.constant 0 : i32
        %dma_wait3A_243 = tpu.memref_slice %arg3[%dma_wait3A_237, %dma_wait3A_242] : memref<2x320000xi32, #tpu.memory_space<hbm>> -> memref<1x128xi32, #tpu.memory_space<hbm>>
        %dma_wait3A_244 = tpu.memref_squeeze %dma_wait3A_243 : memref<1x128xi32, #tpu.memory_space<hbm>> -> memref<128xi32, #tpu.memory_space<hbm>>
        %dma_wait3A_245 = arith.constant 0 : i32
        %dma_wait3A_246 = tpu.memref_slice %arg5[%dma_wait3A_238, %dma_wait3A_245] : memref<4x128xi32, #tpu.memory_space<vmem>> -> memref<1x128xi32, #tpu.memory_space<vmem>>
        %dma_wait3A_247 = tpu.memref_squeeze %dma_wait3A_246 : memref<1x128xi32, #tpu.memory_space<vmem>> -> memref<128xi32, #tpu.memory_space<vmem>>
        %dma_wait3A_248 = arith.constant 0 : i32
        %dma_wait3A_249 = tpu.memref_slice %arg3[%dma_wait3A_237, %dma_wait3A_248] : memref<2x320000xi32, #tpu.memory_space<hbm>> -> memref<1x128xi32, #tpu.memory_space<hbm>>
        %dma_wait3A_250 = tpu.memref_squeeze %dma_wait3A_249 : memref<1x128xi32, #tpu.memory_space<hbm>> -> memref<128xi32, #tpu.memory_space<hbm>>
        tpu.wait_dma2 semaphore(%arg10 : memref<!tpu.dma_semaphore, #tpu.memory_space<semaphore_mem>>) src(%dma_wait3A_250 : memref<128xi32, #tpu.memory_space<hbm>>) dst(%dma_wait3A_247 : memref<128xi32, #tpu.memory_space<vmem>>)
        %dma_wait3A_251 = arith.constant 1 : i32
        %dma_wait3A_252 = arith.constant 0 : i32
        %dma_wait3A_253 = arith.constant 0 : i32
        %dma_wait3A_254 = tpu.memref_slice %arg6[%dma_wait3A_252, %dma_wait3A_253] : memref<4x128xi32, #tpu.memory_space<vmem>> -> memref<1x128xi32, #tpu.memory_space<vmem>>
        %dma_wait3A_255 = tpu.memref_squeeze %dma_wait3A_254 : memref<1x128xi32, #tpu.memory_space<vmem>> -> memref<128xi32, #tpu.memory_space<vmem>>
        %dma_wait3A_256 = arith.constant 0 : i32
        %dma_wait3A_257 = tpu.memref_slice %arg3[%dma_wait3A_251, %dma_wait3A_256] : memref<2x320000xi32, #tpu.memory_space<hbm>> -> memref<1x128xi32, #tpu.memory_space<hbm>>
        %dma_wait3A_258 = tpu.memref_squeeze %dma_wait3A_257 : memref<1x128xi32, #tpu.memory_space<hbm>> -> memref<128xi32, #tpu.memory_space<hbm>>
        %dma_wait3A_259 = arith.constant 0 : i32
        %dma_wait3A_260 = tpu.memref_slice %arg6[%dma_wait3A_252, %dma_wait3A_259] : memref<4x128xi32, #tpu.memory_space<vmem>> -> memref<1x128xi32, #tpu.memory_space<vmem>>
        %dma_wait3A_261 = tpu.memref_squeeze %dma_wait3A_260 : memref<1x128xi32, #tpu.memory_space<vmem>> -> memref<128xi32, #tpu.memory_space<vmem>>
        %dma_wait3A_262 = arith.constant 0 : i32
        %dma_wait3A_263 = tpu.memref_slice %arg3[%dma_wait3A_251, %dma_wait3A_262] : memref<2x320000xi32, #tpu.memory_space<hbm>> -> memref<1x128xi32, #tpu.memory_space<hbm>>
        %dma_wait3A_264 = tpu.memref_squeeze %dma_wait3A_263 : memref<1x128xi32, #tpu.memory_space<hbm>> -> memref<128xi32, #tpu.memory_space<hbm>>
        tpu.wait_dma2 semaphore(%arg10 : memref<!tpu.dma_semaphore, #tpu.memory_space<semaphore_mem>>) src(%dma_wait3A_264 : memref<128xi32, #tpu.memory_space<hbm>>) dst(%dma_wait3A_261 : memref<128xi32, #tpu.memory_space<vmem>>)
        %dma_start3A_265 = arith.constant 0 : i32
        %dma_start3A_266 = tpu.memref_slice %arg5[%rem3A_172, %dma_start3A_265] : memref<4x128xi32, #tpu.memory_space<vmem>> -> memref<1x128xi32, #tpu.memory_space<vmem>>
        %dma_start3A_267 = tpu.memref_squeeze %dma_start3A_266 : memref<1x128xi32, #tpu.memory_space<vmem>> -> memref<128xi32, #tpu.memory_space<vmem>>
        %dma_start3A_268 = arith.constant 0 : i32
        %dma_start3A_269 = arith.constant 0 : i32
        %dma_start3A_270 = tpu.memref_slice %arg2[%dma_start3A_268, %dma_start3A_269] : memref<10112x128xf32, #tpu.memory_space<hbm>> -> memref<10112x128xf32, #tpu.memory_space<hbm>>
        tpu.enqueue_indirect_dma source(%dma_start3A_270 : memref<10112x128xf32, #tpu.memory_space<hbm>>) target(%arg7 : memref<128x128xf32, #tpu.memory_space<vmem>>) offsets(%dma_start3A_267 : memref<128xi32, #tpu.memory_space<vmem>>) semaphore(%arg12 : memref<!tpu.dma_semaphore, #tpu.memory_space<semaphore_mem>>)
        %add3A_271 = arith.constant 4 : i32
        %add3A_272 = arith.addi %mul3A_163, %add3A_271 : i32
        %lt3A_273 = arith.cmpi slt, %add3A_272, %add3A_10 : i32
        %convert_element_type3A_274 = arith.extui %lt3A_273 : i1 to i32
        %cond3A_275 = arith.constant 0 : i32
        %cond3A_276 = arith.cmpi ne, %convert_element_type3A_274, %cond3A_275 : i32
        scf.if %cond3A_276 {
          %add3A_277 = arith.constant 4 : i32
          %add3A_278 = arith.addi %mul3A_163, %add3A_277 : i32
          %add3A_279 = arith.constant 4 : i32
          %add3A_280 = arith.addi %mul3A_163, %add3A_279 : i32
          %rem3A_281 = arith.constant 4 : i32
          %rem3A_282 = arith.remsi %add3A_280, %rem3A_281 : i32
          %mul3A_283 = arith.constant 128 : i32
          %mul3A_284 = arith.muli %add3A_278, %mul3A_283 : i32
          %add3A_285 = arith.addi %mul3A_6, %mul3A_284 : i32
          %dma_start3A_286 = arith.constant 0 : i32
          %dma_start3A_287 = arith.constant 0 : i32
          %dma_start3A_288 = tpu.memref_slice %arg5[%rem3A_282, %dma_start3A_287] : memref<4x128xi32, #tpu.memory_space<vmem>> -> memref<1x128xi32, #tpu.memory_space<vmem>>
          %dma_start3A_289 = tpu.memref_squeeze %dma_start3A_288 : memref<1x128xi32, #tpu.memory_space<vmem>> -> memref<128xi32, #tpu.memory_space<vmem>>
          %dma_start3A_290 = tpu.memref_slice %arg3[%dma_start3A_286, %add3A_285] : memref<2x320000xi32, #tpu.memory_space<hbm>> -> memref<1x128xi32, #tpu.memory_space<hbm>>
          %dma_start3A_291 = tpu.memref_squeeze %dma_start3A_290 : memref<1x128xi32, #tpu.memory_space<hbm>> -> memref<128xi32, #tpu.memory_space<hbm>>
          %dma_start3A_292 = arith.constant 0 : i32
          %dma_start3A_293 = tpu.memref_slice %arg5[%rem3A_282, %dma_start3A_292] : memref<4x128xi32, #tpu.memory_space<vmem>> -> memref<1x128xi32, #tpu.memory_space<vmem>>
          %dma_start3A_294 = tpu.memref_squeeze %dma_start3A_293 : memref<1x128xi32, #tpu.memory_space<vmem>> -> memref<128xi32, #tpu.memory_space<vmem>>
          %dma_start3A_295 = tpu.memref_slice %arg3[%dma_start3A_286, %add3A_285] : memref<2x320000xi32, #tpu.memory_space<hbm>> -> memref<1x128xi32, #tpu.memory_space<hbm>>
          %dma_start3A_296 = tpu.memref_squeeze %dma_start3A_295 : memref<1x128xi32, #tpu.memory_space<hbm>> -> memref<128xi32, #tpu.memory_space<hbm>>
          tpu.enqueue_dma source(%dma_start3A_296 : memref<128xi32, #tpu.memory_space<hbm>>) target(%dma_start3A_294 : memref<128xi32, #tpu.memory_space<vmem>>) target_semaphore(%arg10 : memref<!tpu.dma_semaphore, #tpu.memory_space<semaphore_mem>>)
          %dma_start3A_297 = arith.constant 1 : i32
          %dma_start3A_298 = arith.constant 0 : i32
          %dma_start3A_299 = tpu.memref_slice %arg6[%rem3A_282, %dma_start3A_298] : memref<4x128xi32, #tpu.memory_space<vmem>> -> memref<1x128xi32, #tpu.memory_space<vmem>>
          %dma_start3A_300 = tpu.memref_squeeze %dma_start3A_299 : memref<1x128xi32, #tpu.memory_space<vmem>> -> memref<128xi32, #tpu.memory_space<vmem>>
          %dma_start3A_301 = tpu.memref_slice %arg3[%dma_start3A_297, %add3A_285] : memref<2x320000xi32, #tpu.memory_space<hbm>> -> memref<1x128xi32, #tpu.memory_space<hbm>>
          %dma_start3A_302 = tpu.memref_squeeze %dma_start3A_301 : memref<1x128xi32, #tpu.memory_space<hbm>> -> memref<128xi32, #tpu.memory_space<hbm>>
          %dma_start3A_303 = arith.constant 0 : i32
          %dma_start3A_304 = tpu.memref_slice %arg6[%rem3A_282, %dma_start3A_303] : memref<4x128xi32, #tpu.memory_space<vmem>> -> memref<1x128xi32, #tpu.memory_space<vmem>>
          %dma_start3A_305 = tpu.memref_squeeze %dma_start3A_304 : memref<1x128xi32, #tpu.memory_space<vmem>> -> memref<128xi32, #tpu.memory_space<vmem>>
          %dma_start3A_306 = tpu.memref_slice %arg3[%dma_start3A_297, %add3A_285] : memref<2x320000xi32, #tpu.memory_space<hbm>> -> memref<1x128xi32, #tpu.memory_space<hbm>>
          %dma_start3A_307 = tpu.memref_squeeze %dma_start3A_306 : memref<1x128xi32, #tpu.memory_space<hbm>> -> memref<128xi32, #tpu.memory_space<hbm>>
          tpu.enqueue_dma source(%dma_start3A_307 : memref<128xi32, #tpu.memory_space<hbm>>) target(%dma_start3A_305 : memref<128xi32, #tpu.memory_space<vmem>>) target_semaphore(%arg10 : memref<!tpu.dma_semaphore, #tpu.memory_space<semaphore_mem>>)
        } else {
        }
      } else {
      }
      %dma_wait3A_230 = arith.constant 0 : i32
      %dma_wait3A_231 = arith.constant 0 : i32
      %dma_wait3A_232 = tpu.memref_slice %arg5[%dma_wait3A_230, %dma_wait3A_231] : memref<4x128xi32, #tpu.memory_space<vmem>> -> memref<1x128xi32, #tpu.memory_space<vmem>>
      %dma_wait3A_233 = tpu.memref_squeeze %dma_wait3A_232 : memref<1x128xi32, #tpu.memory_space<vmem>> -> memref<128xi32, #tpu.memory_space<vmem>>
      %dma_wait3A_234 = arith.constant 0 : i32
      %dma_wait3A_235 = arith.constant 0 : i32
      %dma_wait3A_236 = tpu.memref_slice %arg2[%dma_wait3A_234, %dma_wait3A_235] : memref<10112x128xf32, #tpu.memory_space<hbm>> -> memref<10112x128xf32, #tpu.memory_space<hbm>>
      tpu.wait_indirect_dma semaphore(%arg13 : memref<!tpu.dma_semaphore, #tpu.memory_space<semaphore_mem>>) src(%dma_wait3A_236 : memref<10112x128xf32, #tpu.memory_space<hbm>>) dst(%arg8 : memref<128x128xf32, #tpu.memory_space<vmem>>)
      "tpu.region"() ({
        %run_scoped3A = tpu.sem_alloc : memref<!tpu.dma_semaphore, #tpu.memory_space<semaphore_mem>>
        %dma_start3A_237 = arith.constant 0 : i32
        %dma_start3A_238 = tpu.memref_slice %arg6[%rem3A_168, %dma_start3A_237] : memref<4x128xi32, #tpu.memory_space<vmem>> -> memref<1x128xi32, #tpu.memory_space<vmem>>
        %dma_start3A_239 = tpu.memref_squeeze %dma_start3A_238 : memref<1x128xi32, #tpu.memory_space<vmem>> -> memref<128xi32, #tpu.memory_space<vmem>>
        %dma_start3A_240 = arith.constant 0 : i32
        %dma_start3A_241 = arith.constant 0 : i32
        %dma_start3A_242 = tpu.memref_slice %arg9[%dma_start3A_240, %dma_start3A_241] : memref<10112x128xf32, #tpu.memory_space<vmem_shared>> -> memref<10112x128xf32, #tpu.memory_space<vmem_shared>>
        tpu.enqueue_indirect_dma source(%arg8 : memref<128x128xf32, #tpu.memory_space<vmem>>) target(%dma_start3A_242 : memref<10112x128xf32, #tpu.memory_space<vmem_shared>>) offsets(%dma_start3A_239 : memref<128xi32, #tpu.memory_space<vmem>>) semaphore(%run_scoped3A : memref<!tpu.dma_semaphore, #tpu.memory_space<semaphore_mem>>) {add = true}
        %dma_wait3A_243 = arith.constant 0 : i32
        %dma_wait3A_244 = tpu.memref_slice %arg6[%rem3A_168, %dma_wait3A_243] : memref<4x128xi32, #tpu.memory_space<vmem>> -> memref<1x128xi32, #tpu.memory_space<vmem>>
        %dma_wait3A_245 = tpu.memref_squeeze %dma_wait3A_244 : memref<1x128xi32, #tpu.memory_space<vmem>> -> memref<128xi32, #tpu.memory_space<vmem>>
        %dma_wait3A_246 = arith.constant 0 : i32
        %dma_wait3A_247 = arith.constant 0 : i32
        %dma_wait3A_248 = tpu.memref_slice %arg9[%dma_wait3A_246, %dma_wait3A_247] : memref<10112x128xf32, #tpu.memory_space<vmem_shared>> -> memref<10112x128xf32, #tpu.memory_space<vmem_shared>>
        tpu.wait_indirect_dma semaphore(%run_scoped3A : memref<!tpu.dma_semaphore, #tpu.memory_space<semaphore_mem>>) src(%arg8 : memref<128x128xf32, #tpu.memory_space<vmem>>) dst(%dma_wait3A_248 : memref<10112x128xf32, #tpu.memory_space<vmem_shared>>)
        tpu.yield
      }) : () -> ()
    }
    %scan3A_152 = arith.constant 39 : i32
    %lt3A_153 = arith.constant 4 : i32
    %lt3A_154 = arith.cmpi slt, %add3A, %lt3A_153 : i32
    %convert_element_type3A = arith.extui %lt3A_154 : i1 to i32
    %cond3A = arith.constant 0 : i32
    %cond3A_155 = arith.cmpi ne, %convert_element_type3A, %cond3A : i32
    scf.if %cond3A_155 {
      %dma_wait3A_161 = arith.constant 0 : i32
      %dma_wait3A_162 = arith.constant 0 : i32
      %dma_wait3A_163 = tpu.memref_slice %arg5[%dma_wait3A_161, %dma_wait3A_162] : memref<4x128xi32, #tpu.memory_space<vmem>> -> memref<1x128xi32, #tpu.memory_space<vmem>>
      %dma_wait3A_164 = tpu.memref_squeeze %dma_wait3A_163 : memref<1x128xi32, #tpu.memory_space<vmem>> -> memref<128xi32, #tpu.memory_space<vmem>>
      %dma_wait3A_165 = arith.constant 0 : i32
      %dma_wait3A_166 = arith.constant 0 : i32
      %dma_wait3A_167 = tpu.memref_slice %arg2[%dma_wait3A_165, %dma_wait3A_166] : memref<10112x128xf32, #tpu.memory_space<hbm>> -> memref<10112x128xf32, #tpu.memory_space<hbm>>
      tpu.wait_indirect_dma semaphore(%arg12 : memref<!tpu.dma_semaphore, #tpu.memory_space<semaphore_mem>>) src(%dma_wait3A_167 : memref<10112x128xf32, #tpu.memory_space<hbm>>) dst(%arg7 : memref<128x128xf32, #tpu.memory_space<vmem>>)
      %run_scoped3A = arith.constant 2 : i32
      "tpu.region"() ({
        %run_scoped3A_168 = tpu.sem_alloc : memref<!tpu.dma_semaphore, #tpu.memory_space<semaphore_mem>>
        %dma_start3A_169 = arith.constant 0 : i32
        %dma_start3A_170 = tpu.memref_slice %arg6[%run_scoped3A, %dma_start3A_169] : memref<4x128xi32, #tpu.memory_space<vmem>> -> memref<1x128xi32, #tpu.memory_space<vmem>>
        %dma_start3A_171 = tpu.memref_squeeze %dma_start3A_170 : memref<1x128xi32, #tpu.memory_space<vmem>> -> memref<128xi32, #tpu.memory_space<vmem>>
        %dma_start3A_172 = arith.constant 0 : i32
        %dma_start3A_173 = arith.constant 0 : i32
        %dma_start3A_174 = tpu.memref_slice %arg9[%dma_start3A_172, %dma_start3A_173] : memref<10112x128xf32, #tpu.memory_space<vmem_shared>> -> memref<10112x128xf32, #tpu.memory_space<vmem_shared>>
        tpu.enqueue_indirect_dma source(%arg7 : memref<128x128xf32, #tpu.memory_space<vmem>>) target(%dma_start3A_174 : memref<10112x128xf32, #tpu.memory_space<vmem_shared>>) offsets(%dma_start3A_171 : memref<128xi32, #tpu.memory_space<vmem>>) semaphore(%run_scoped3A_168 : memref<!tpu.dma_semaphore, #tpu.memory_space<semaphore_mem>>) {add = true}
        %dma_wait3A_175 = arith.constant 0 : i32
        %dma_wait3A_176 = tpu.memref_slice %arg6[%run_scoped3A, %dma_wait3A_175] : memref<4x128xi32, #tpu.memory_space<vmem>> -> memref<1x128xi32, #tpu.memory_space<vmem>>
        %dma_wait3A_177 = tpu.memref_squeeze %dma_wait3A_176 : memref<1x128xi32, #tpu.memory_space<vmem>> -> memref<128xi32, #tpu.memory_space<vmem>>
        %dma_wait3A_178 = arith.constant 0 : i32
        %dma_wait3A_179 = arith.constant 0 : i32
        %dma_wait3A_180 = tpu.memref_slice %arg9[%dma_wait3A_178, %dma_wait3A_179] : memref<10112x128xf32, #tpu.memory_space<vmem_shared>> -> memref<10112x128xf32, #tpu.memory_space<vmem_shared>>
        tpu.wait_indirect_dma semaphore(%run_scoped3A_168 : memref<!tpu.dma_semaphore, #tpu.memory_space<semaphore_mem>>) src(%arg7 : memref<128x128xf32, #tpu.memory_space<vmem>>) dst(%dma_wait3A_180 : memref<10112x128xf32, #tpu.memory_space<vmem_shared>>)
        tpu.yield
      }) : () -> ()
    } else {
    }
    %barrier3A_156 = arith.constant 0 : index
    tpu.barrier barrier_id(%barrier3A_156)
    %mul3A_157 = arith.constant 632 : i32
    %mul3A_158 = arith.muli %arg1, %mul3A_157 : i32
    %mul3A_159 = arith.constant 632 : i32
    %mul3A_160 = arith.muli %arg1, %mul3A_159 : i32
    "tpu.region"() ({
      %run_scoped3A = tpu.sem_alloc : memref<!tpu.dma_semaphore, #tpu.memory_space<semaphore_mem>>
      %dma_start3A_161 = arith.constant 0 : i32
      %dma_start3A_162 = tpu.memref_slice %arg4[%arg0, %mul3A_160, %dma_start3A_161] : memref<2x10112x128xf32, #tpu.memory_space<hbm>> -> memref<1x632x128xf32, #tpu.memory_space<hbm>>
      %dma_start3A_163 = tpu.memref_squeeze %dma_start3A_162 : memref<1x632x128xf32, #tpu.memory_space<hbm>> -> memref<632x128xf32, #tpu.memory_space<hbm>>
      %dma_start3A_164 = arith.constant 0 : i32
      %dma_start3A_165 = tpu.memref_slice %arg9[%mul3A_158, %dma_start3A_164] : memref<10112x128xf32, #tpu.memory_space<vmem_shared>> -> memref<632x128xf32, #tpu.memory_space<vmem_shared>>
      tpu.enqueue_dma source(%dma_start3A_165 : memref<632x128xf32, #tpu.memory_space<vmem_shared>>) target(%dma_start3A_163 : memref<632x128xf32, #tpu.memory_space<hbm>>) target_semaphore(%run_scoped3A : memref<!tpu.dma_semaphore, #tpu.memory_space<semaphore_mem>>)
      %dma_wait3A_166 = arith.constant 0 : i32
      %dma_wait3A_167 = tpu.memref_slice %arg4[%arg0, %mul3A_160, %dma_wait3A_166] : memref<2x10112x128xf32, #tpu.memory_space<hbm>> -> memref<1x632x128xf32, #tpu.memory_space<hbm>>
      %dma_wait3A_168 = tpu.memref_squeeze %dma_wait3A_167 : memref<1x632x128xf32, #tpu.memory_space<hbm>> -> memref<632x128xf32, #tpu.memory_space<hbm>>
      %dma_wait3A_169 = arith.constant 0 : i32
      %dma_wait3A_170 = tpu.memref_slice %arg9[%mul3A_158, %dma_wait3A_169] : memref<10112x128xf32, #tpu.memory_space<vmem_shared>> -> memref<632x128xf32, #tpu.memory_space<vmem_shared>>
      tpu.wait_dma2 semaphore(%run_scoped3A : memref<!tpu.dma_semaphore, #tpu.memory_space<semaphore_mem>>) src(%dma_wait3A_170 : memref<632x128xf32, #tpu.memory_space<vmem_shared>>) dst(%dma_wait3A_168 : memref<632x128xf32, #tpu.memory_space<hbm>>)
      tpu.yield
    }) : () -> ()
    return
  }
}

#map = affine_map<(d0, d1) -> (0, 0)>
module attributes {stable_mosaic.version = 14 : i64} {
  func.func @k(%arg0: i32, %arg1: i32, %arg2: memref<2x320000xi32, #tpu.memory_space<hbm>>, %arg3: memref<32x10112xf32, #tpu.memory_space<hbm>>, %arg4: memref<10112xi32, #tpu.memory_space<vmem>>, %arg5: memref<10112xf32, #tpu.memory_space<vmem>>) attributes {dimension_semantics = [#tpu.dimension_semantics<core_parallel>, #tpu.dimension_semantics<subcore_parallel>], iteration_bounds = array<i64: 2, 16>, scalar_prefetch = 0 : i64, scratch_operands = 2 : i64, tpu.core_type = #tpu.core_type<sc_vector_subcore>, window_params = [{transform_indices = #map}, {transform_indices = #map}]} {
    %mul3A = arith.constant 2 : i32
    %mul3A_0 = arith.muli %arg1, %mul3A : i32
    %add3A = arith.addi %mul3A_0, %arg0 : i32
    %mul3A_1 = arith.constant 78 : i32
    %mul3A_2 = arith.muli %add3A, %mul3A_1 : i32
    %min3A = arith.constant 4 : i32
    %min3A_3 = arith.minsi %add3A, %min3A : i32
    %add3A_4 = arith.addi %mul3A_2, %min3A_3 : i32
    %mul3A_5 = arith.constant 128 : i32
    %mul3A_6 = arith.muli %add3A_4, %mul3A_5 : i32
    %scan3A = arith.constant 0 : i32
    %scan3A_7 = arith.constant 0 : i32
    %scan3A_8 = arith.constant 632 : i32
    %scan3A_9 = arith.addi %scan3A_7, %scan3A_8 : i32
    %scan3A_10 = arith.constant 1 : i32
    scf.for %scan3A_26 = %scan3A_7 to %scan3A_9 step %scan3A_10  : i32 {
      %broadcast_in_dim3A_27 = arith.constant 0.000000e+00 : f32
      %broadcast_in_dim3A_28 = vector.broadcast %broadcast_in_dim3A_27 : f32 to vector<16xf32>
      %mul3A_29 = arith.constant 16 : i32
      %mul3A_30 = arith.muli %scan3A_26, %mul3A_29 : i32
      %swap3A = arith.index_cast %mul3A_30 : i32 to index
      %swap3A_31 = tpu.vector_load %arg5[%swap3A] {strides = array<i32>} : memref<10112xf32, #tpu.memory_space<vmem>>, vector<16xf32>,
      tpu.vector_store %arg5[%swap3A], %broadcast_in_dim3A_28 {strides = array<i32>} : memref<10112xf32, #tpu.memory_space<vmem>>, vector<16xf32>,
    }
    %scan3A_11 = arith.constant 632 : i32
    %run_scoped3A = arith.constant 1 : i32
    "tpu.region"() ({
      %run_scoped3A_26 = tpu.sem_alloc : memref<!tpu.dma_semaphore, #tpu.memory_space<semaphore_mem>>
      %dma_start3A = arith.constant 0 : i32
      %dma_start3A_27 = tpu.memref_slice %arg4[%dma_start3A] : memref<10112xi32, #tpu.memory_space<vmem>> -> memref<9984xi32, #tpu.memory_space<vmem>>
      %dma_start3A_28 = tpu.memref_slice %arg2[%run_scoped3A, %mul3A_6] : memref<2x320000xi32, #tpu.memory_space<hbm>> -> memref<1x9984xi32, #tpu.memory_space<hbm>>
      %dma_start3A_29 = tpu.memref_squeeze %dma_start3A_28 : memref<1x9984xi32, #tpu.memory_space<hbm>> -> memref<9984xi32, #tpu.memory_space<hbm>>
      %dma_start3A_30 = arith.constant 0 : i32
      %dma_start3A_31 = tpu.memref_slice %arg4[%dma_start3A_30] : memref<10112xi32, #tpu.memory_space<vmem>> -> memref<9984xi32, #tpu.memory_space<vmem>>
      %dma_start3A_32 = tpu.memref_slice %arg2[%run_scoped3A, %mul3A_6] : memref<2x320000xi32, #tpu.memory_space<hbm>> -> memref<1x9984xi32, #tpu.memory_space<hbm>>
      %dma_start3A_33 = tpu.memref_squeeze %dma_start3A_32 : memref<1x9984xi32, #tpu.memory_space<hbm>> -> memref<9984xi32, #tpu.memory_space<hbm>>
      tpu.enqueue_dma source(%dma_start3A_33 : memref<9984xi32, #tpu.memory_space<hbm>>) target(%dma_start3A_31 : memref<9984xi32, #tpu.memory_space<vmem>>) target_semaphore(%run_scoped3A_26 : memref<!tpu.dma_semaphore, #tpu.memory_space<semaphore_mem>>)
      %dma_wait3A = arith.constant 0 : i32
      %dma_wait3A_34 = tpu.memref_slice %arg4[%dma_wait3A] : memref<10112xi32, #tpu.memory_space<vmem>> -> memref<9984xi32, #tpu.memory_space<vmem>>
      %dma_wait3A_35 = tpu.memref_slice %arg2[%run_scoped3A, %mul3A_6] : memref<2x320000xi32, #tpu.memory_space<hbm>> -> memref<1x9984xi32, #tpu.memory_space<hbm>>
      %dma_wait3A_36 = tpu.memref_squeeze %dma_wait3A_35 : memref<1x9984xi32, #tpu.memory_space<hbm>> -> memref<9984xi32, #tpu.memory_space<hbm>>
      %dma_wait3A_37 = arith.constant 0 : i32
      %dma_wait3A_38 = tpu.memref_slice %arg4[%dma_wait3A_37] : memref<10112xi32, #tpu.memory_space<vmem>> -> memref<9984xi32, #tpu.memory_space<vmem>>
      %dma_wait3A_39 = tpu.memref_slice %arg2[%run_scoped3A, %mul3A_6] : memref<2x320000xi32, #tpu.memory_space<hbm>> -> memref<1x9984xi32, #tpu.memory_space<hbm>>
      %dma_wait3A_40 = tpu.memref_squeeze %dma_wait3A_39 : memref<1x9984xi32, #tpu.memory_space<hbm>> -> memref<9984xi32, #tpu.memory_space<hbm>>
      tpu.wait_dma2 semaphore(%run_scoped3A_26 : memref<!tpu.dma_semaphore, #tpu.memory_space<semaphore_mem>>) src(%dma_wait3A_40 : memref<9984xi32, #tpu.memory_space<hbm>>) dst(%dma_wait3A_38 : memref<9984xi32, #tpu.memory_space<vmem>>)
      tpu.yield
    }) : () -> ()
    %lt3A = arith.constant 4 : i32
    %lt3A_12 = arith.cmpi slt, %add3A, %lt3A : i32
    %convert_element_type3A = arith.extui %lt3A_12 : i1 to i32
    %cond3A = arith.constant 0 : i32
    %cond3A_13 = arith.cmpi ne, %convert_element_type3A, %cond3A : i32
    scf.if %cond3A_13 {
      %add3A_26 = arith.constant 9984 : i32
      %add3A_27 = arith.addi %mul3A_6, %add3A_26 : i32
      %run_scoped3A_28 = arith.constant 1 : i32
      "tpu.region"() ({
        %run_scoped3A_29 = tpu.sem_alloc : memref<!tpu.dma_semaphore, #tpu.memory_space<semaphore_mem>>
        %dma_start3A = arith.constant 9984 : i32
        %dma_start3A_30 = tpu.memref_slice %arg4[%dma_start3A] : memref<10112xi32, #tpu.memory_space<vmem>> -> memref<128xi32, #tpu.memory_space<vmem>>
        %dma_start3A_31 = tpu.memref_slice %arg2[%run_scoped3A_28, %add3A_27] : memref<2x320000xi32, #tpu.memory_space<hbm>> -> memref<1x128xi32, #tpu.memory_space<hbm>>
        %dma_start3A_32 = tpu.memref_squeeze %dma_start3A_31 : memref<1x128xi32, #tpu.memory_space<hbm>> -> memref<128xi32, #tpu.memory_space<hbm>>
        %dma_start3A_33 = arith.constant 9984 : i32
        %dma_start3A_34 = tpu.memref_slice %arg4[%dma_start3A_33] : memref<10112xi32, #tpu.memory_space<vmem>> -> memref<128xi32, #tpu.memory_space<vmem>>
        %dma_start3A_35 = tpu.memref_slice %arg2[%run_scoped3A_28, %add3A_27] : memref<2x320000xi32, #tpu.memory_space<hbm>> -> memref<1x128xi32, #tpu.memory_space<hbm>>
        %dma_start3A_36 = tpu.memref_squeeze %dma_start3A_35 : memref<1x128xi32, #tpu.memory_space<hbm>> -> memref<128xi32, #tpu.memory_space<hbm>>
        tpu.enqueue_dma source(%dma_start3A_36 : memref<128xi32, #tpu.memory_space<hbm>>) target(%dma_start3A_34 : memref<128xi32, #tpu.memory_space<vmem>>) target_semaphore(%run_scoped3A_29 : memref<!tpu.dma_semaphore, #tpu.memory_space<semaphore_mem>>)
        %dma_wait3A = arith.constant 9984 : i32
        %dma_wait3A_37 = tpu.memref_slice %arg4[%dma_wait3A] : memref<10112xi32, #tpu.memory_space<vmem>> -> memref<128xi32, #tpu.memory_space<vmem>>
        %dma_wait3A_38 = tpu.memref_slice %arg2[%run_scoped3A_28, %add3A_27] : memref<2x320000xi32, #tpu.memory_space<hbm>> -> memref<1x128xi32, #tpu.memory_space<hbm>>
        %dma_wait3A_39 = tpu.memref_squeeze %dma_wait3A_38 : memref<1x128xi32, #tpu.memory_space<hbm>> -> memref<128xi32, #tpu.memory_space<hbm>>
        %dma_wait3A_40 = arith.constant 9984 : i32
        %dma_wait3A_41 = tpu.memref_slice %arg4[%dma_wait3A_40] : memref<10112xi32, #tpu.memory_space<vmem>> -> memref<128xi32, #tpu.memory_space<vmem>>
        %dma_wait3A_42 = tpu.memref_slice %arg2[%run_scoped3A_28, %add3A_27] : memref<2x320000xi32, #tpu.memory_space<hbm>> -> memref<1x128xi32, #tpu.memory_space<hbm>>
        %dma_wait3A_43 = tpu.memref_squeeze %dma_wait3A_42 : memref<1x128xi32, #tpu.memory_space<hbm>> -> memref<128xi32, #tpu.memory_space<hbm>>
        tpu.wait_dma2 semaphore(%run_scoped3A_29 : memref<!tpu.dma_semaphore, #tpu.memory_space<semaphore_mem>>) src(%dma_wait3A_43 : memref<128xi32, #tpu.memory_space<hbm>>) dst(%dma_wait3A_41 : memref<128xi32, #tpu.memory_space<vmem>>)
        tpu.yield
      }) : () -> ()
    } else {
    }
    %broadcast_in_dim3A = arith.constant 1.000000e+00 : f32
    %broadcast_in_dim3A_14 = vector.broadcast %broadcast_in_dim3A : f32 to vector<16xf32>
    %scan3A_15 = arith.constant 0 : i32
    %scan3A_16 = arith.constant 0 : i32
    %scan3A_17 = arith.constant 624 : i32
    %scan3A_18 = arith.addi %scan3A_16, %scan3A_17 : i32
    %scan3A_19 = arith.constant 1 : i32
    scf.for %scan3A_26 = %scan3A_16 to %scan3A_18 step %scan3A_19  : i32 {
      %mul3A_27 = arith.constant 16 : i32
      %mul3A_28 = arith.muli %scan3A_26, %mul3A_27 : i32
      %get3A = arith.index_cast %mul3A_28 : i32 to index
      %get3A_29 = tpu.vector_load %arg4[%get3A] {strides = array<i32>} : memref<10112xi32, #tpu.memory_space<vmem>>, vector<16xi32>,
      tpu.vector_store_idx %arg5[%get3A_29], %broadcast_in_dim3A_14 {add = true} : memref<10112xf32, #tpu.memory_space<vmem>>[vector<16xi32>], vector<16xf32>,
    }
    %scan3A_20 = arith.constant 624 : i32
    %lt3A_21 = arith.constant 4 : i32
    %lt3A_22 = arith.cmpi slt, %add3A, %lt3A_21 : i32
    %convert_element_type3A_23 = arith.extui %lt3A_22 : i1 to i32
    %cond3A_24 = arith.constant 0 : i32
    %cond3A_25 = arith.cmpi ne, %convert_element_type3A_23, %cond3A_24 : i32
    scf.if %cond3A_25 {
      %scan3A_26 = arith.constant 0 : i32
      %scan3A_27 = arith.constant 624 : i32
      %scan3A_28 = arith.constant 8 : i32
      %scan3A_29 = arith.addi %scan3A_27, %scan3A_28 : i32
      %scan3A_30 = arith.constant 1 : i32
      scf.for %scan3A_32 = %scan3A_27 to %scan3A_29 step %scan3A_30  : i32 {
        %mul3A_33 = arith.constant 16 : i32
        %mul3A_34 = arith.muli %scan3A_32, %mul3A_33 : i32
        %get3A = arith.index_cast %mul3A_34 : i32 to index
        %get3A_35 = tpu.vector_load %arg4[%get3A] {strides = array<i32>} : memref<10112xi32, #tpu.memory_space<vmem>>, vector<16xi32>,
        tpu.vector_store_idx %arg5[%get3A_35], %broadcast_in_dim3A_14 {add = true} : memref<10112xf32, #tpu.memory_space<vmem>>[vector<16xi32>], vector<16xf32>,
      }
      %scan3A_31 = arith.constant 8 : i32
    } else {
    }
    "tpu.region"() ({
      %run_scoped3A_26 = tpu.sem_alloc : memref<!tpu.dma_semaphore, #tpu.memory_space<semaphore_mem>>
      %dma_start3A = arith.constant 0 : i32
      %dma_start3A_27 = tpu.memref_slice %arg3[%add3A, %dma_start3A] : memref<32x10112xf32, #tpu.memory_space<hbm>> -> memref<1x10112xf32, #tpu.memory_space<hbm>>
      %dma_start3A_28 = tpu.memref_squeeze %dma_start3A_27 : memref<1x10112xf32, #tpu.memory_space<hbm>> -> memref<10112xf32, #tpu.memory_space<hbm>>
      %dma_start3A_29 = arith.constant 0 : i32
      %dma_start3A_30 = tpu.memref_slice %arg3[%add3A, %dma_start3A_29] : memref<32x10112xf32, #tpu.memory_space<hbm>> -> memref<1x10112xf32, #tpu.memory_space<hbm>>
      %dma_start3A_31 = tpu.memref_squeeze %dma_start3A_30 : memref<1x10112xf32, #tpu.memory_space<hbm>> -> memref<10112xf32, #tpu.memory_space<hbm>>
      tpu.enqueue_dma source(%arg5 : memref<10112xf32, #tpu.memory_space<vmem>>) target(%dma_start3A_31 : memref<10112xf32, #tpu.memory_space<hbm>>) target_semaphore(%run_scoped3A_26 : memref<!tpu.dma_semaphore, #tpu.memory_space<semaphore_mem>>)
      %dma_wait3A = arith.constant 0 : i32
      %dma_wait3A_32 = tpu.memref_slice %arg3[%add3A, %dma_wait3A] : memref<32x10112xf32, #tpu.memory_space<hbm>> -> memref<1x10112xf32, #tpu.memory_space<hbm>>
      %dma_wait3A_33 = tpu.memref_squeeze %dma_wait3A_32 : memref<1x10112xf32, #tpu.memory_space<hbm>> -> memref<10112xf32, #tpu.memory_space<hbm>>
      %dma_wait3A_34 = arith.constant 0 : i32
      %dma_wait3A_35 = tpu.memref_slice %arg3[%add3A, %dma_wait3A_34] : memref<32x10112xf32, #tpu.memory_space<hbm>> -> memref<1x10112xf32, #tpu.memory_space<hbm>>
      %dma_wait3A_36 = tpu.memref_squeeze %dma_wait3A_35 : memref<1x10112xf32, #tpu.memory_space<hbm>> -> memref<10112xf32, #tpu.memory_space<hbm>>
      tpu.wait_dma2 semaphore(%run_scoped3A_26 : memref<!tpu.dma_semaphore, #tpu.memory_space<semaphore_mem>>) src(%arg5 : memref<10112xf32, #tpu.memory_space<vmem>>) dst(%dma_wait3A_36 : memref<10112xf32, #tpu.memory_space<hbm>>)
      tpu.yield
    }) : () -> ()
    return
  }
}

module attributes {stable_mosaic.version = 14 : i64} {
  func.func @body(%arg0: i32, %arg1: memref<2x2000x128xf32, #tpu.memory_space<vmem>>, %arg2: memref<2000x128xf32, #tpu.memory_space<vmem>>, %arg3: memref<2000x1xf32, #tpu.memory_space<vmem>>, %arg4: memref<2000x3xf32, #tpu.memory_space<vmem>>, %arg5: memref<3x128x128xf32, #tpu.memory_space<vmem>>, %arg6: memref<3x128xf32, #tpu.memory_space<vmem>>, %arg7: memref<2000x128xf32, #tpu.memory_space<vmem>>) attributes {dimension_semantics = [#tpu.dimension_semantics<arbitrary>], iteration_bounds = array<i64: 5>, scalar_prefetch = 0 : i64, scratch_operands = 0 : i64, tpu.core_type = #tpu.core_type<tc>, window_params = [{transform_indices = @transform_0, window_bounds = array<i64: 2, 2000, 128>}, {transform_indices = @transform_1, window_bounds = array<i64: 2000, 128>}, {transform_indices = @transform_2, window_bounds = array<i64: 2000, 1>}, {transform_indices = @transform_3, window_bounds = array<i64: 2000, 3>}, {pipeline_mode = #tpu.pipeline_mode<synchronous>, transform_indices = @transform_4, window_bounds = array<i64: 3, 128, 128>}, {pipeline_mode = #tpu.pipeline_mode<synchronous>, transform_indices = @transform_5, window_bounds = array<i64: 3, 128>}, {transform_indices = @transform_6, window_bounds = array<i64: 2000, 128>}]} {
    %get3A = arith.constant 0 : index
    %get3A_0 = arith.constant 0 : index
    %get3A_1 = arith.constant 0 : index
    %get3A_2 = vector.load %arg1[%get3A, %get3A_0, %get3A_1] : memref<2x2000x128xf32, #tpu.memory_space<vmem>>, vector<1x2000x128xf32>
    %get3A_3 = vector.shape_cast %get3A_2 : vector<1x2000x128xf32> to vector<2000x128xf32>
    %get3A_4 = arith.constant 1 : index
    %get3A_5 = arith.constant 0 : index
    %get3A_6 = arith.constant 0 : index
    %get3A_7 = vector.load %arg1[%get3A_4, %get3A_5, %get3A_6] : memref<2x2000x128xf32, #tpu.memory_space<vmem>>, vector<1x2000x128xf32>
    %get3A_8 = vector.shape_cast %get3A_7 : vector<1x2000x128xf32> to vector<2000x128xf32>
    %add3A = arith.addf %get3A_3, %get3A_8 : vector<2000x128xf32>
    %get3A_9 = arith.constant 0 : index
    %get3A_10 = arith.constant 0 : index
    %get3A_11 = vector.load %arg2[%get3A_9, %get3A_10] : memref<2000x128xf32, #tpu.memory_space<vmem>>, vector<2000x128xf32>
    %add3A_12 = arith.addf %add3A, %get3A_11 : vector<2000x128xf32>
    %get3A_13 = arith.constant 0 : index
    %get3A_14 = arith.constant 0 : index
    %get3A_15 = vector.load %arg3[%get3A_13, %get3A_14] : memref<2000x1xf32, #tpu.memory_space<vmem>>, vector<2000x1xf32>
    %mul3A = vector.broadcast %get3A_15 : vector<2000x1xf32> to vector<2000x128xf32>
    %mul3A_16 = arith.mulf %add3A_12, %mul3A : vector<2000x128xf32>
    %broadcast_in_dim3A = arith.constant 0.000000e+00 : f32
    %broadcast_in_dim3A_17 = vector.broadcast %broadcast_in_dim3A : f32 to vector<2000x128xf32>
    %get3A_18 = arith.constant 0 : index
    %get3A_19 = arith.constant 0 : index
    %get3A_20 = arith.constant 0 : index
    %get3A_21 = vector.load %arg5[%get3A_18, %get3A_19, %get3A_20] : memref<3x128x128xf32, #tpu.memory_space<vmem>>, vector<1x128x128xf32>
    %get3A_22 = vector.shape_cast %get3A_21 : vector<1x128x128xf32> to vector<128x128xf32>
    %dot_general3A = arith.constant dense<0.000000e+00> : vector<2000x128xf32>
    %dot_general3A_23 = tpu.matmul %mul3A_16, %get3A_22, %dot_general3A {dimension_numbers = #tpu.dot_dimension_numbers<[1], [0], [0], [1], [0, 0, 1, 1], [], []>, transpose_lhs_hint = false} : vector<2000x128xf32>, vector<128x128xf32>, vector<2000x128xf32> -> vector<2000x128xf32>
    %get3A_24 = arith.constant 0 : index
    %get3A_25 = arith.constant 0 : index
    %get3A_26 = vector.load %arg6[%get3A_24, %get3A_25] : memref<3x128xf32, #tpu.memory_space<vmem>>, vector<1x128xf32>
    %get3A_27 = vector.shape_cast %get3A_26 : vector<1x128xf32> to vector<128xf32>
    %broadcast_in_dim3A_28 = vector.shape_cast %get3A_27 : vector<128xf32> to vector<1x128xf32>
    %add3A_29 = vector.broadcast %broadcast_in_dim3A_28 : vector<1x128xf32> to vector<2000x128xf32>
    %add3A_30 = arith.addf %dot_general3A_23, %add3A_29 : vector<2000x128xf32>
    %get3A_31 = arith.constant 0 : index
    %get3A_32 = arith.constant 0 : index
    %get3A_33 = vector.load %arg4[%get3A_31, %get3A_32] : memref<2000x3xf32, #tpu.memory_space<vmem>>, vector<2000x1xf32>
    %get3A_34 = vector.shape_cast %get3A_33 : vector<2000x1xf32> to vector<2000xf32>
    %broadcast_in_dim3A_35 = vector.shape_cast %get3A_34 : vector<2000xf32> to vector<2000x1xf32>
    %max3A = arith.constant 0.000000e+00 : f32
    %max3A_36 = vector.broadcast %max3A : f32 to vector<2000x128xf32>
    %max3A_37 = arith.maximumf %add3A_30, %max3A_36 : vector<2000x128xf32>
    %mul3A_38 = vector.broadcast %broadcast_in_dim3A_35 : vector<2000x1xf32> to vector<2000x128xf32>
    %mul3A_39 = arith.mulf %mul3A_38, %max3A_37 : vector<2000x128xf32>
    %add3A_40 = arith.addf %broadcast_in_dim3A_17, %mul3A_39 : vector<2000x128xf32>
    %get3A_41 = arith.constant 1 : index
    %get3A_42 = arith.constant 0 : index
    %get3A_43 = arith.constant 0 : index
    %get3A_44 = vector.load %arg5[%get3A_41, %get3A_42, %get3A_43] : memref<3x128x128xf32, #tpu.memory_space<vmem>>, vector<1x128x128xf32>
    %get3A_45 = vector.shape_cast %get3A_44 : vector<1x128x128xf32> to vector<128x128xf32>
    %dot_general3A_46 = arith.constant dense<0.000000e+00> : vector<2000x128xf32>
    %dot_general3A_47 = tpu.matmul %mul3A_16, %get3A_45, %dot_general3A_46 {dimension_numbers = #tpu.dot_dimension_numbers<[1], [0], [0], [1], [0, 0, 1, 1], [], []>, transpose_lhs_hint = false} : vector<2000x128xf32>, vector<128x128xf32>, vector<2000x128xf32> -> vector<2000x128xf32>
    %get3A_48 = arith.constant 1 : index
    %get3A_49 = arith.constant 0 : index
    %get3A_50 = vector.load %arg6[%get3A_48, %get3A_49] : memref<3x128xf32, #tpu.memory_space<vmem>>, vector<1x128xf32>
    %get3A_51 = vector.shape_cast %get3A_50 : vector<1x128xf32> to vector<128xf32>
    %broadcast_in_dim3A_52 = vector.shape_cast %get3A_51 : vector<128xf32> to vector<1x128xf32>
    %add3A_53 = vector.broadcast %broadcast_in_dim3A_52 : vector<1x128xf32> to vector<2000x128xf32>
    %add3A_54 = arith.addf %dot_general3A_47, %add3A_53 : vector<2000x128xf32>
    %get3A_55 = arith.constant 0 : index
    %get3A_56 = arith.constant 1 : index
    %get3A_57 = vector.load %arg4[%get3A_55, %get3A_56] : memref<2000x3xf32, #tpu.memory_space<vmem>>, vector<2000x1xf32>
    %get3A_58 = vector.shape_cast %get3A_57 : vector<2000x1xf32> to vector<2000xf32>
    %broadcast_in_dim3A_59 = vector.shape_cast %get3A_58 : vector<2000xf32> to vector<2000x1xf32>
    %max3A_60 = arith.constant 0.000000e+00 : f32
    %max3A_61 = vector.broadcast %max3A_60 : f32 to vector<2000x128xf32>
    %max3A_62 = arith.maximumf %add3A_54, %max3A_61 : vector<2000x128xf32>
    %mul3A_63 = vector.broadcast %broadcast_in_dim3A_59 : vector<2000x1xf32> to vector<2000x128xf32>
    %mul3A_64 = arith.mulf %mul3A_63, %max3A_62 : vector<2000x128xf32>
    %add3A_65 = arith.addf %add3A_40, %mul3A_64 : vector<2000x128xf32>
    %get3A_66 = arith.constant 2 : index
    %get3A_67 = arith.constant 0 : index
    %get3A_68 = arith.constant 0 : index
    %get3A_69 = vector.load %arg5[%get3A_66, %get3A_67, %get3A_68] : memref<3x128x128xf32, #tpu.memory_space<vmem>>, vector<1x128x128xf32>
    %get3A_70 = vector.shape_cast %get3A_69 : vector<1x128x128xf32> to vector<128x128xf32>
    %dot_general3A_71 = arith.constant dense<0.000000e+00> : vector<2000x128xf32>
    %dot_general3A_72 = tpu.matmul %mul3A_16, %get3A_70, %dot_general3A_71 {dimension_numbers = #tpu.dot_dimension_numbers<[1], [0], [0], [1], [0, 0, 1, 1], [], []>, transpose_lhs_hint = false} : vector<2000x128xf32>, vector<128x128xf32>, vector<2000x128xf32> -> vector<2000x128xf32>
    %get3A_73 = arith.constant 2 : index
    %get3A_74 = arith.constant 0 : index
    %get3A_75 = vector.load %arg6[%get3A_73, %get3A_74] : memref<3x128xf32, #tpu.memory_space<vmem>>, vector<1x128xf32>
    %get3A_76 = vector.shape_cast %get3A_75 : vector<1x128xf32> to vector<128xf32>
    %broadcast_in_dim3A_77 = vector.shape_cast %get3A_76 : vector<128xf32> to vector<1x128xf32>
    %add3A_78 = vector.broadcast %broadcast_in_dim3A_77 : vector<1x128xf32> to vector<2000x128xf32>
    %add3A_79 = arith.addf %dot_general3A_72, %add3A_78 : vector<2000x128xf32>
    %get3A_80 = arith.constant 0 : index
    %get3A_81 = arith.constant 2 : index
    %get3A_82 = vector.load %arg4[%get3A_80, %get3A_81] : memref<2000x3xf32, #tpu.memory_space<vmem>>, vector<2000x1xf32>
    %get3A_83 = vector.shape_cast %get3A_82 : vector<2000x1xf32> to vector<2000xf32>
    %broadcast_in_dim3A_84 = vector.shape_cast %get3A_83 : vector<2000xf32> to vector<2000x1xf32>
    %max3A_85 = arith.constant 0.000000e+00 : f32
    %max3A_86 = vector.broadcast %max3A_85 : f32 to vector<2000x128xf32>
    %max3A_87 = arith.maximumf %add3A_79, %max3A_86 : vector<2000x128xf32>
    %mul3A_88 = vector.broadcast %broadcast_in_dim3A_84 : vector<2000x1xf32> to vector<2000x128xf32>
    %mul3A_89 = arith.mulf %mul3A_88, %max3A_87 : vector<2000x128xf32>
    %add3A_90 = arith.addf %add3A_65, %mul3A_89 : vector<2000x128xf32>
    %swap3A = arith.constant 0 : index
    %swap3A_91 = arith.constant 0 : index
    %swap3A_92 = vector.load %arg7[%swap3A, %swap3A_91] : memref<2000x128xf32, #tpu.memory_space<vmem>>, vector<2000x128xf32>
    tpu.vector_store %arg7[%swap3A, %swap3A_91], %add3A_90 {strides = array<i32>} : memref<2000x128xf32, #tpu.memory_space<vmem>>, vector<2000x128xf32>,
    return
  }
  func.func @transform_0(%arg0: i32) -> (i32, i32, i32) {
    %c0_i32 = arith.constant 0 : i32
    %c0_i32_0 = arith.constant 0 : i32
    %c0_i32_1 = arith.constant 0 : i32
    return %c0_i32, %arg0, %c0_i32_0 : i32, i32, i32
  }
  func.func @transform_1(%arg0: i32) -> (i32, i32) {
    %c0_i32 = arith.constant 0 : i32
    %c0_i32_0 = arith.constant 0 : i32
    return %arg0, %c0_i32 : i32, i32
  }
  func.func @transform_2(%arg0: i32) -> (i32, i32) {
    %c0_i32 = arith.constant 0 : i32
    %c0_i32_0 = arith.constant 0 : i32
    return %arg0, %c0_i32 : i32, i32
  }
  func.func @transform_3(%arg0: i32) -> (i32, i32) {
    %c0_i32 = arith.constant 0 : i32
    %c0_i32_0 = arith.constant 0 : i32
    return %arg0, %c0_i32 : i32, i32
  }
  func.func @transform_4(%arg0: i32) -> (i32, i32, i32) {
    %c0_i32 = arith.constant 0 : i32
    %c0_i32_0 = arith.constant 0 : i32
    %c0_i32_1 = arith.constant 0 : i32
    %c0_i32_2 = arith.constant 0 : i32
    return %c0_i32, %c0_i32_0, %c0_i32_1 : i32, i32, i32
  }
  func.func @transform_5(%arg0: i32) -> (i32, i32) {
    %c0_i32 = arith.constant 0 : i32
    %c0_i32_0 = arith.constant 0 : i32
    %c0_i32_1 = arith.constant 0 : i32
    return %c0_i32, %c0_i32_0 : i32, i32
  }
  func.func @transform_6(%arg0: i32) -> (i32, i32) {
    %c0_i32 = arith.constant 0 : i32
    %c0_i32_0 = arith.constant 0 : i32
    return %arg0, %c0_i32 : i32, i32
  }
}

module attributes {stable_mosaic.version = 14 : i64} {
  func.func @body(%arg0: memref<32x10112xf32, #tpu.memory_space<vmem>>, %arg1: memref<10000x128xf32, #tpu.memory_space<vmem>>, %arg2: memref<10000x4xf32, #tpu.memory_space<vmem>>, %arg3: memref<4x3xf32, #tpu.memory_space<vmem>>, %arg4: memref<10000x128xf32, #tpu.memory_space<vmem>>, %arg5: memref<10000x1xf32, #tpu.memory_space<vmem>>, %arg6: memref<10000x3xf32, #tpu.memory_space<vmem>>) attributes {dimension_semantics = [], scalar_prefetch = 0 : i64, scratch_operands = 0 : i64, tpu.core_type = #tpu.core_type<tc>} {
    %get3A = arith.constant 0 : index
    %get3A_0 = arith.constant 0 : index
    %get3A_1 = vector.load %arg0[%get3A, %get3A_0] : memref<32x10112xf32, #tpu.memory_space<vmem>>, vector<32x10112xf32>
    %reduce_sum3A = arith.constant dense<0.000000e+00> : vector<10112xf32>
    %reduce_sum3A_2 = vector.multi_reduction <add>, %get3A_1, %reduce_sum3A [0] : vector<32x10112xf32> to vector<10112xf32>
    %add3A = arith.constant 1.000000e+00 : f32
    %add3A_3 = vector.broadcast %add3A : f32 to vector<10112xf32>
    %add3A_4 = arith.addf %reduce_sum3A_2, %add3A_3 : vector<10112xf32>
    %rsqrt3A = math.rsqrt %add3A_4 : vector<10112xf32>
    %slice3A = vector.extract_strided_slice %rsqrt3A {offsets = [0], sizes = [10000], strides = [1]} : vector<10112xf32> to vector<10000xf32>
    %get3A_5 = arith.constant 0 : index
    %get3A_6 = arith.constant 0 : index
    %get3A_7 = vector.load %arg1[%get3A_5, %get3A_6] : memref<10000x128xf32, #tpu.memory_space<vmem>>, vector<10000x128xf32>
    %broadcast_in_dim3A = vector.shape_cast %slice3A : vector<10000xf32> to vector<10000x1xf32>
    %mul3A = vector.broadcast %broadcast_in_dim3A : vector<10000x1xf32> to vector<10000x128xf32>
    %mul3A_8 = arith.mulf %get3A_7, %mul3A : vector<10000x128xf32>
    %swap3A = arith.constant 0 : index
    %swap3A_9 = arith.constant 0 : index
    %swap3A_10 = vector.load %arg4[%swap3A, %swap3A_9] : memref<10000x128xf32, #tpu.memory_space<vmem>>, vector<10000x128xf32>
    tpu.vector_store %arg4[%swap3A, %swap3A_9], %mul3A_8 {strides = array<i32>} : memref<10000x128xf32, #tpu.memory_space<vmem>>, vector<10000x128xf32>,
    %broadcast_in_dim3A_11 = vector.shape_cast %slice3A : vector<10000xf32> to vector<10000x1xf32>
    %swap3A_12 = arith.constant 0 : index
    %swap3A_13 = arith.constant 0 : index
    %swap3A_14 = vector.load %arg5[%swap3A_12, %swap3A_13] : memref<10000x1xf32, #tpu.memory_space<vmem>>, vector<10000x1xf32>
    tpu.vector_store %arg5[%swap3A_12, %swap3A_13], %broadcast_in_dim3A_11 {strides = array<i32>} : memref<10000x1xf32, #tpu.memory_space<vmem>>, vector<10000x1xf32>,
    %get3A_15 = arith.constant 0 : index
    %get3A_16 = arith.constant 0 : index
    %get3A_17 = vector.load %arg2[%get3A_15, %get3A_16] : memref<10000x4xf32, #tpu.memory_space<vmem>>, vector<10000x4xf32>
    %get3A_18 = arith.constant 0 : index
    %get3A_19 = arith.constant 0 : index
    %get3A_20 = vector.load %arg3[%get3A_18, %get3A_19] : memref<4x3xf32, #tpu.memory_space<vmem>>, vector<4x3xf32>
    %dot_general3A = arith.constant dense<0.000000e+00> : vector<10000x3xf32>
    %dot_general3A_21 = tpu.matmul %get3A_17, %get3A_20, %dot_general3A {dimension_numbers = #tpu.dot_dimension_numbers<[1], [0], [0], [1], [0, 0, 1, 1], [], []>, transpose_lhs_hint = false} : vector<10000x4xf32>, vector<4x3xf32>, vector<10000x3xf32> -> vector<10000x3xf32>
    %mul3A_22 = arith.constant 9.900990e-03 : f32
    %mul3A_23 = vector.broadcast %mul3A_22 : f32 to vector<10000x3xf32>
    %mul3A_24 = arith.mulf %dot_general3A_21, %mul3A_23 : vector<10000x3xf32>
    %reduce_max3A = arith.constant dense<0xFF800000> : vector<10000xf32>
    %reduce_max3A_25 = vector.multi_reduction <maximumf>, %mul3A_24, %reduce_max3A [1] : vector<10000x3xf32> to vector<10000xf32>
    %broadcast_in_dim3A_26 = vector.shape_cast %reduce_max3A_25 : vector<10000xf32> to vector<10000x1xf32>
    %sub3A = vector.broadcast %broadcast_in_dim3A_26 : vector<10000x1xf32> to vector<10000x3xf32>
    %sub3A_27 = arith.subf %mul3A_24, %sub3A : vector<10000x3xf32>
    %exp3A = math.exp %sub3A_27 : vector<10000x3xf32>
    %reduce_sum3A_28 = arith.constant dense<0.000000e+00> : vector<10000xf32>
    %reduce_sum3A_29 = vector.multi_reduction <add>, %exp3A, %reduce_sum3A_28 [1] : vector<10000x3xf32> to vector<10000xf32>
    %broadcast_in_dim3A_30 = vector.shape_cast %reduce_sum3A_29 : vector<10000xf32> to vector<10000x1xf32>
    %div3A = vector.broadcast %broadcast_in_dim3A_30 : vector<10000x1xf32> to vector<10000x3xf32>
    %div3A_31 = arith.divf %exp3A, %div3A : vector<10000x3xf32>
    %swap3A_32 = arith.constant 0 : index
    %swap3A_33 = arith.constant 0 : index
    %swap3A_34 = vector.load %arg6[%swap3A_32, %swap3A_33] : memref<10000x3xf32, #tpu.memory_space<vmem>>, vector<10000x3xf32>
    tpu.vector_store %arg6[%swap3A_32, %swap3A_33], %div3A_31 {strides = array<i32>} : memref<10000x3xf32, #tpu.memory_space<vmem>>, vector<10000x3xf32>,
    return
  }
}

</mosaic_0001>

<sc_bundles>
// kernel: kernel.6.cloned.1.call-start
scs
__scs_entry_jumppad:
0x0: {  	(pc) =	sbr.rel $0x88, $3  }
0x1: {  	(tag) =	ssettag $0x0;
	lr =	simm.s32 $0x1  }
0x2: {  	[smem:$0x3F9B] =	sst lr;
	_ =	strace $0xD0000000  }
0x3: {  	_ = 	snop  }
0x4: {  	_ = 	snop  }
0x5: {  	_ = 	snop  }
0x6: {  	_ = 	snop  }
0x7: {  	_ = 	snop  }
__scs_overlays_trampoline_lowered:
0x8: {  	[smem:$0x3FAA] =	sst s0  }
0x9: {  	[smem:$0x3FAB] =	sst s1  }
0xa: {  	[smem:$0x3FAC] =	sst s2  }
0xb: {  	[smem:$0x3FAD] =	sst s3  }
0xc: {  	[smem:$0x3FAE] =	sst s4  }
0xd: {  	[smem:$0x3FAF] =	sst s5  }
0xe: {  	[smem:$0x3FB0] =	sst s6  }
0xf: {  	[smem:$0x3FB1] =	sst s7  }
0x10: {  	[smem:$0x3FB2] =	sst s8  }
0x11: {  	[smem:$0x3FB3] =	sst s9;
	s0 =	simm.s32 @!p0 $0x0  }
0x12: {  	s1 =	sld [smem:$0x3F99];
	s0 =	simm.s32 @p0 $0x1  }
0x13: {  	[smem:$0x3FB4] =	sst s0;
	s0 =	simm.s32 @!p1 $0x0  }
0x14: {  	s2 =	sld [smem:$0x3F98];
	s0 =	simm.s32 @p1 $0x1  }
0x15: {  	[smem:$0x3FB5] =	sst s0;
	s0 =	simm.s32 @!p2 $0x0  }
0x16: {  	s3 =	sld [smem:$0x3FDB];
	s0 =	simm.s32 @p2 $0x1  }
0x17: {  	s4 =	simm.s32 $0x1BF5;
	[smem:$0x3FB7] =	sst s0  }
0x18: {  	s0 =	sld [smem:$0x3F9A];
	_ =	swait.ge [sflag:s4], $0x0  }
0x19: {  	s7 =	sld [smem:$0x3F9B]  }
0x1a: {  	s8 =	sadd.s32 $0xFFFFE003, lr  }
0x1b: {  	s9 =	sadd.s32 $0xFFFFFEF7, lr;
	s5 =	simm.s32 $0xFFFFFFFF;
	p2 =	slt.u32 s8, $0xFFFFF086  }
0x1c: {  	p1 =	slt.u32 s9, $0xF7A;
	s5 =	simm.s32 @!p2 $0x0  }
0x1d: {  	s5 =	simm.s32 @p1 $0x1;
	p0 =	seq.s32 s7, s2  }
0x1e: {  	s7 =	smul.u32 @!p0 $0xF7A, s2;
	p2 =	seq.s32 @!p0 s5, $0x0  }
0x1f: {  	s9 =	smul.u32 $0xF7A, s1;
	s8 =	simm.s32 @!p0 $0x1BF5;
	p2 =	por !p2, p0  }
0x20: {  	[sflag:s8] =	ssyncset.s32 @!p0 $0xFFFFF086;
	s6 =	sadd.s32 @!p0 s3, s7;
	s7 =	simm.s32 @!p0 $0x108  }
0x21: {  	s3 =	sadd.s32 s3, s9;
	s6 =	sadd.s32 @!p0 $0x88, s6;
	s7 =	simm.s32 @p2 $0x1082  }
0x22: {  	[simem:s7], [sflag:s8] =	dma.local @!p0 [hbm:s6], $0xF7A  }
0x23: {  	s9 =	sor.u32 $0xD0000000, s2;
	s6 =	simm.s32 $0x108;
	_ =	swait.ge @!p0 [sflag:s8], $0x0  }
0x24: {  	s3 =	sadd.s32 $0x88, s3;
	s6 =	simm.s32 @!p1 $0x1082;
	[sflag:s4] =	ssyncset.s32 $0xFFFFF086  }
0x25: {  	[simem:s6], [sflag:s4] =	dma.local [hbm:s3], $0xF7A  }
0x26: {  	[smem:$0x3F9B] =	sst s1;
	(tag) =	ssettag s2;
	_ =	strace s9  }
0x27: {  	s1 =	sld [smem:$0x3FAB]  }
0x28: {  	s2 =	sld [smem:$0x3FAC]  }
0x29: {  	s4 =	sld [smem:$0x3FAE]  }
0x2a: {  	p0 =	seq.s32 s5, $0x0;
	s5 =	sld [smem:$0x3FAF]  }
0x2b: {  	s6 =	sld [smem:$0x3FB0]  }
0x2c: {  	s7 =	sld [smem:$0x3FB1]  }
0x2d: {  	s3 =	simm.s32 $0x108;
	s8 =	sld [smem:$0x3FB2]  }
0x2e: {  	s3 =	simm.s32 @!p0 $0x1082;
	s9 =	sld [smem:$0x3FB3]  }
0x2f: {  	lr =	sadd.s32 s0, s3;
	s0 =	sld [smem:$0x3FAA]  }
0x30: {  	s3 =	sld [smem:$0x3FAD]  }
0x31: {  	[smem:$0x3FB6] =	sst s10  }
0x32: {  	s10 =	sld [smem:$0x3FB4];
	_ =	sdelay $0x3  }
0x33: {  	p0 =	seq.s32 s10, $0x1;
	s10 =	sld [smem:$0x3FB6];
	_ =	sdelay $0x3  }
0x34: {  	[smem:$0x3FB6] =	sst s10  }
0x35: {  	s10 =	sld [smem:$0x3FB5];
	_ =	sdelay $0x3  }
0x36: {  	p1 =	seq.s32 s10, $0x1;
	s10 =	sld [smem:$0x3FB6];
	_ =	sdelay $0x3  }
0x37: {  	[smem:$0x3FB6] =	sst s10  }
0x38: {  	s10 =	sld [smem:$0x3FB7]  }
0x39: {  	_ = 	snop;
	(pc) =	sbr.ind lr, $3  }
0x3a: {  	_ = 	snop  }
0x3b: {  	_ = 	snop  }
0x3c: {  	p2 =	seq.s32 s10, $0x1;
	s10 =	sld [smem:$0x3FB6]  }
0x3d: {  	_ =	shalt  }
0x3e: {  	_ =	shalt  }
0x3f: {  	_ =	shalt  }
0x40: {  	_ =	shalt  }
0x41: {  	_ =	shalt  }
0x42: {  	_ =	shalt  }
0x43: {  	_ =	shalt  }
0x44: {  	_ =	shalt  }
0x45: {  	_ =	shalt  }
0x46: {  	_ =	shalt  }
0x47: {  	_ =	shalt  }
0x48: {  	_ =	shalt  }
0x49: {  	_ =	shalt  }
0x4a: {  	_ =	shalt  }
0x4b: {  	_ =	shalt  }
0x4c: {  	_ =	shalt  }
0x4d: {  	_ =	shalt  }
0x4e: {  	_ =	shalt  }
0x4f: {  	_ =	shalt  }
0x50: {  	_ =	shalt  }
0x51: {  	_ =	shalt  }
0x52: {  	_ =	shalt  }
0x53: {  	_ =	shalt  }
0x54: {  	_ =	shalt  }
0x55: {  	_ =	shalt  }
0x56: {  	_ =	shalt  }
0x57: {  	_ =	shalt  }
0x58: {  	_ =	shalt  }
0x59: {  	_ =	shalt  }
0x5a: {  	_ =	shalt  }
0x5b: {  	_ =	shalt  }
0x5c: {  	_ =	shalt  }
0x5d: {  	_ =	shalt  }
0x5e: {  	_ =	shalt  }
0x5f: {  	_ =	shalt  }
0x60: {  	_ =	shalt  }
0x61: {  	_ =	shalt  }
0x62: {  	_ =	shalt  }
0x63: {  	_ =	shalt  }
0x64: {  	_ =	shalt  }
0x65: {  	_ =	shalt  }
0x66: {  	_ =	shalt  }
0x67: {  	_ =	shalt  }
0x68: {  	_ =	shalt  }
0x69: {  	_ =	shalt  }
0x6a: {  	_ =	shalt  }
0x6b: {  	_ =	shalt  }
0x6c: {  	_ =	shalt  }
0x6d: {  	_ =	shalt  }
0x6e: {  	_ =	shalt  }
0x6f: {  	_ =	shalt  }
0x70: {  	_ =	shalt  }
0x71: {  	_ =	shalt  }
0x72: {  	_ =	shalt  }
0x73: {  	_ =	shalt  }
0x74: {  	_ =	shalt  }
0x75: {  	_ =	shalt  }
0x76: {  	_ =	shalt  }
0x77: {  	_ =	shalt  }
0x78: {  	_ =	shalt  }
0x79: {  	_ =	shalt  }
0x7a: {  	_ =	shalt  }
0x7b: {  	_ =	shalt  }
0x7c: {  	_ =	shalt  }
0x7d: {  	_ =	shalt  }
0x7e: {  	_ =	shalt  }
0x7f: {  	_ =	shalt  }
0x80: {  	_ =	shalt  }
0x81: {  	_ =	shalt  }
0x82: {  	_ =	shalt  }
0x83: {  	_ =	shalt  }
0x84: {  	_ =	shalt  }
0x85: {  	_ =	shalt  }
0x86: {  	_ =	shalt  }
0x87: {  	_ =	shalt  }
.Lfunc_end0:
.L_simem_size_0:
called_computation_lowered:
.L_overlay_start_0:
0x88: {  	s2 =	sld [smem:$0x3FD9]  }
0x89: {  	s3 =	sld [smem:$0x3FFE];
	_ =	sdelay $0x1  }
0x8a: {  	s1 =	srdreg.scid  }
0x8b: {  	s0 =	sand.u32 $0x1, s1  }
0x8c: {  	s17 =	sshll.u32 s0, $0xA;
	s2 =	sadd.s32 s3, s2  }
0x8d: {  	s2 =	sadd.s32 s2, s17  }
0x8e: {  	[smem:$0x3FC2] =	sst s2  }
0x8f: {  	_ = 	snop  }
0x90: {  	s2 =	sld [smem:$0x3FC8];
	(tm) =	ssettm $0x1  }
0x91: {  	s18 =	sld [smem:$0x3FFB];
	_ =	sdelay $0x3  }
0x92: {  	_ =	strace s18  }
0x93: {  	s3 =	sld [smem:$0x3FFC];
	_ =	sdelay $0x3  }
0x94: {  	_ =	strace s3  }
0x95: {  	s3 =	sld [smem:$0x3FFD];
	_ =	sdelay $0x3  }
0x96: {  	_ =	strace s3  }
0x97: {  	_ =	strace $0x8FFFFFFF  }
0x98: {  	s19 =	sld [smem:$0x3FDB];
	_ =	sdelay $0x1  }
0x99: {  	s4 =	simm.s32 $_scs_section_size  }
0x9a: {  	s5 =	simm.s32 $_size__tile_overlayer_lowered;
	s6 =	simm.s32 $_tile_overlayer_lowered  }
0x9b: {  	s22 =	simm.s32 $0x1BFF;
	s21 =	sshll.u32 s6, $0x1;
	s3 =	sadd.s32 s4, s19  }
0x9c: {  	s7 =	simm.s32 $0x0;
	s20 =	sshll.u32 s5, $0x1;
	s5 =	sadd.s32 s21, s3  }
0x9d: {  	[timem:s7], [sflag:s22] =	dma.local [hbm:s5], s20  }
0x9e: {  	_ =	swait.ge [sflag:s22], s20  }
0x9f: {  	s4 =	ssub.s32 $0x0, s20;
	[sflag:s22] =	ssyncset.done $0x0  }
0xa0: {  	[sflag:s22] =	ssyncadd.s32 s4;
	_ =	sdelay $0x1  }
0xa1: {  	s23 =	simm.s32 $0x1B8B  }
0xa2: {  	_ =	swait.ge [sflag:s23], $0x1  }
0xa3: {  	[sflag:s23] =	ssyncset.done $0x0  }
0xa4: {  	s25 =	simm.s32 $0x1B8E;
	s24 =	sld [smem:$0x3FFE];
	[sflag:s23] =	ssyncadd.s32 $0xFFFFFFFF  }
0xa5: {  	s26 =	simm.s32 $execute0_lowered;
	[smem:$0x3FD2] =	sst s25  }
0xa6: {  	s5 =	sshll.u32 s26, $0x1;
	_ =	strace $0x80000046;
	[dreg:$0x1] =	wrdreg $0xFFFFFFFF  }
0xa7: {  	s28 =	simm.s32 $_size_execute0_lowered;
	s3 =	sadd.s32 s3, s5;
	[dreg:$0x0] =	wrdreg $0x0  }
0xa8: {  	s5 =	sshll.u32 s28, $0x1;
	[dreg:$0x2] =	wrdreg s3  }
0xa9: {  	[dreg:$0x3] =	wrdreg s5  }
0xaa: {  	[dreg:$0x4] =	wrdreg $0xC0  }
0xab: {  	_ =	task [dreg:s7], $0x5FFFF  }
0xac: {  	[dreg:$0x1] =	wrdreg $0xFFFFFFFF  }
0xad: {  	[dreg:$0x0] =	wrdreg $0x60  }
0xae: {  	[dreg:$0x2] =	wrdreg s2  }
0xaf: {  	[dreg:$0x3] =	wrdreg s24  }
0xb0: {  	[dreg:$0x4] =	wrdreg $0x9  }
0xb1: {  	_ =	task.clear_ibuf [dreg:s7], $0x5FFFF;
	_ =	strace $0x90000046  }
0xb2: {  	s29 =	simm.s32 $0x9;
	_ =	strace $0x80000048  }
0xb3: {  	_ =	swait.ge [sflag:s29], $0x1  }
0xb4: {  	[sflag:s29] =	ssyncadd.s32 $0xFFFFFFFF  }
0xb5: {  	_ =	strace $0x90000048  }
0xb6: {  	_ =	sfence  }
0xb7: {  	s30 =	sld [smem:$0x0];
	_ =	sdelay $0x2  }
0xb8: {  	s31 =	sshll.u32 s1, $0xD;
	s1 =	sshrl.u32 s1, $0x2  }
0xb9: {  	s3 =	sand.u32 $0x4000, s31;
	s1 =	sadd.s32 s1, s30  }
0xba: {  	s0 =	sor.u32 s3, s0;
	s1 =	sshll.u32 s1, $0x11  }
0xbb: {  	s0 =	sor.u32 s1, s0  }
0xbc: {  	s0 =	sadd.s32 $0x8F2B, s0  }
0xbd: {  	[sflag:s0] =	ssyncadd.remote.s32 $0x1  }
0xbe: {  	_ =	sfence.sel $0xFFFF  }
0xbf: {  	[dreg:$0x0] =	wrdreg $0xFFFFFFFF;
	(pc) =	sbr.abs _section_cstart, $3  }
0xc0: {  	[dreg:$0x1] =	wrdreg $0xFFFFFFFF  }
0xc1: {  	_ =	task.clear_ibuf [dreg:s7], $0x2FFFF;
	_ =	strace $0x9FFFFFFF  }
0xc2: {  	(tm) =	ssettm $0x7FFFFFFF  }
0xc3: {  	_ =	shalt  }
tec
execute0_lowered:
.L_overlay_start_1:
0x0: {  	(tag) =	ssettag $0x1  }
0x1: {  	s3 =	rddreg [dreg:$0x0]  }
0x2: {  	s4 =	rddreg [dreg:$0x1]  }
0x3: {  	s1 =	srdreg.scid;
	s0 =	stileid.u32  }
0x4: {  	s10 =	simm.s32 $0x2780;
	s11 =	simm.s32 $0x400;
	s12 =	simm.s32 $0x0  }
0x5: {  	s5 =	sand.u32 $0x1, s1;
	s2 =	sshll.u32 s0, $0x1;
	s6 =	sshrl.u32 s0, $0x2  }
0x6: {  	s1 =	rddreg [dreg:$0x2];
	p0 =	sgt.u32 s0, $0x1;
	s7 =	sor.u32 s5, s2  }
0x7: {  	s6 =	smul.u32 $0x13C00, s6;
	s2 =	simm.s32 $0x0;
	s5 =	ssub.s32 $0x2, s5  }
0x8: {  	s8 =	sshll.u32 s7, $0x7;
	s9 =	smul.u32 $0x4E, s7;
	[smem:$0x7FF] =	sst s2  }
0x9: {  	s7 =	smin.u32 s7, $0x4;
	s30 =	sshrl.u32 s5, $0x1;
	s8 =	sand.u32 $0x380, s8  }
0xa: {  	_ =	strace $0x80000047;
	s31 =	ssub.s32 s5, s30;
	s7 =	sadd.s32 s7, s9  }
0xb: {  	s6 =	sor.u32 s6, s8;
	s8 =	simm.s32 $0x100;
	s7 =	sshll.u32 s7, $0x5  }
0xc: {  	s9 =	simm.s32 $0x1;
	s6 =	sshrl.u32 s6, $0x3;
	s7 =	sadd.s32 s7, s3  }
0xd: {  	s6 =	sadd.s32 s6, s4;
	s3 =	sadd.s32 $0x10, s7;
	s4 =	sadd.s32 $0x9D0, s7  }
0xe: {  	v0 =	vimm.f32 $0.0e+00;
	v1 =	vimm.f32 $1.000000000e+00;
	s5 =	sadd.s32 $0x1600, s6;
	s6 =	smax.u32 s31, $0x1;
	s7 =	simm.s32 $0x80  }
.LBB2_1:
0xf: {  	s13 =	simm.s32 $0x40;
	s14 =	simm.s32 $0x0  }
.LBB2_2:
0x10: {  	p1 =	sne.s32 s13, $0x9DC0;
	[tilespmem:s14+$0x2780] =	vst v0;
	s14 =	smov.u32 s13;
	s13 =	sadd.s32 $0x40, s13  }
.Ltmp0:
0x11: {  	(pc) =	sbr.rel @p1 .LBB2_2-.Ltmp0, $2  }
0x12: {  	_ =	sdelay $0x2  }
0x13: {  	s14 =	sshra.s32 s14, $0x2  }
0x14: {  	[tilespmem:s14+$0x2780] =	vst v0  }
0x15: {  	[tilespmem:s2], [sflag:$0x1] =	stream.strided.gather [hbm4b:s3+s7], $0x2700, s8, s7, $0x38;
	[tilespmem:$0x4F00] =	vst v63  }
0x16: {  	_ =	swait.ge [sflag:s9], $0x2700  }
0x17: {  	[sflag:s9] =	ssyncset.done $0x0  }
0x18: {  	s13 =	simm.s32 @!p0 $0x0;
	s14 =	simm.s32 @!p0 $0x2700;
	[sflag:s9] =	ssyncadd.s32 $0xFFFFD900  }
0x19: {  	[tilespmem:s14], [sflag:$0x1] =	stream.linear.gather @!p0 [hbm4b:s4+s13], $0x80, $0x38;
	[tilespmem:$0x4F00] =	vst v63  }
0x1a: {  	s13 =	simm.s32 @!p0 $0x1  }
0x1b: {  	_ =	swait.ge @!p0 [sflag:s13], $0x80  }
0x1c: {  	[sflag:s13] =	ssyncset.done @!p0 $0x0  }
0x1d: {  	s14 =	simm.s32 $0x0;
	[sflag:s13] =	ssyncadd.s32 @!p0 $0xFFFFFF80;
	s13 =	simm.s32 $0x40  }
.LBB2_4:
0x1e: {  	p1 =	sne.s32 s13, $0x9BC0;
	v2 =	vld [tilespmem:s14+$0x0];
	_ =	sdelay $0x3  }
.Ltmp1:
0x1f: {  	(pc) =	sbr.rel @p1 .LBB2_4-.Ltmp1, $2  }
0x20: {  	_ =	sdelay $0x2  }
0x21: {  	s14 =	sshra.s32 s13, $0x2;
	s13 =	sadd.s32 $0x40, s13;
	[tilespmem:v2+s10+$0x0] =	vst.idx.add.f32.msk $0xffff, v1  }
0x22: {  	v2 =	vld [tilespmem:s14+$0x0];
	_ =	sdelay $0x7  }
0x23: {  	[tilespmem:v2+s10+$0x0] =	vst.idx.add.f32.msk $0xffff, v1  }
0x24: {  	v2 =	vld @!p0 [tilespmem:$0x2700];
	_ =	sdelay $0x6  }
0x25: {  	v3 =	vimm.f32 @!p0 $1.000000000e+00;
	s13 =	simm.s32 @!p0 $0x2780  }
0x26: {  	[tilespmem:v2+s13+$0x0] =	vst.idx.add.f32.msk @!p0 $0xffff, v3  }
0x27: {  	v2 =	vld @!p0 [tilespmem:$0x2710];
	_ =	sdelay $0x7  }
0x28: {  	[tilespmem:v2+s13+$0x0] =	vst.idx.add.f32.msk @!p0 $0xffff, v3  }
0x29: {  	v2 =	vld @!p0 [tilespmem:$0x2720];
	_ =	sdelay $0x7  }
0x2a: {  	[tilespmem:v2+s13+$0x0] =	vst.idx.add.f32.msk @!p0 $0xffff, v3  }
0x2b: {  	v2 =	vld @!p0 [tilespmem:$0x2730];
	_ =	sdelay $0x7  }
0x2c: {  	[tilespmem:v2+s13+$0x0] =	vst.idx.add.f32.msk @!p0 $0xffff, v3  }
0x2d: {  	v2 =	vld @!p0 [tilespmem:$0x2740];
	_ =	sdelay $0x7  }
0x2e: {  	[tilespmem:v2+s13+$0x0] =	vst.idx.add.f32.msk @!p0 $0xffff, v3  }
0x2f: {  	v2 =	vld @!p0 [tilespmem:$0x2750];
	_ =	sdelay $0x7  }
0x30: {  	[tilespmem:v2+s13+$0x0] =	vst.idx.add.f32.msk @!p0 $0xffff, v3  }
0x31: {  	v2 =	vld @!p0 [tilespmem:$0x2760];
	_ =	sdelay $0x7  }
0x32: {  	[tilespmem:v2+s13+$0x0] =	vst.idx.add.f32.msk @!p0 $0xffff, v3  }
0x33: {  	v2 =	vld @!p0 [tilespmem:$0x2770];
	_ =	sdelay $0x5  }
0x34: {  	s12 =	sadd.s32 $0x1, s12  }
0x35: {  	p1 =	sne.s32 s12, s6  }
.Ltmp2:
0x36: {  	[tilespmem:v2+s13+$0x0] =	vst.idx.add.f32.msk @!p0 $0xffff, v3;
	(pc) =	sbr.rel @p1 .LBB2_1-.Ltmp2, $4  }
0x37: {  	[hbm4b:s5+s7] =	stream.strided.scatter [tilespmem:s10], [sflag:$0x1], $0x2780, s11, s7, $0x38;
	[tilespmem:$0x4F00] =	vst v63  }
0x38: {  	_ =	swait.ge [sflag:s9], $0x2780  }
0x39: {  	[sflag:s9] =	ssyncset.done $0x0  }
0x3a: {  	[sflag:s9] =	ssyncadd.s32 $0xFFFFD880  }
0x3b: {  	_ =	sfence.sel $0x180000  }
0x3c: {  	[bflag:$0x0] =	sbarrier.arrive $0xFFFF  }
0x3d: {  	p0 =	sne.s32 s0, $0x0;
	_ =	strace $0x90000047  }
0x3e: {  	s0 =	sadd.s32 @!p0 $0x100000, s1;
	[bflag:$0x2] =	sbarrier.arrive $0xFFFF  }
0x3f: {  	[sflag:s0] =	ssyncadd.tile.s32 @!p0 $0x1;
	_ =	shalt  }
.Lfunc_end2:
_tile_overlayer_lowered:
.L_overlay_start_2:
0x40: {  	(tag) =	ssettag $0x2  }
0x41: {  	s0 =	rddreg [dreg:$0x0];
	s2 =	stileid.u32  }
0x42: {  	s1 =	rddreg [dreg:$0x1];
	p0 =	sne.s32 s2, $0x0  }
0x43: {  	s3 =	rddreg [dreg:$0x2];
	[bflag:$0x3] =	sbarrier.arrive $0xFFFF;
	s2 =	simm.s32 @!p0 $0x1C01  }
0x44: {  	[timem:s3], [sflag:s2] =	dma.local @!p0 [hbm:s0], s1  }
0x45: {  	s0 =	simm.s32 @!p0 $0x1  }
0x46: {  	_ =	swait.ge @!p0 [sflag:s0], s1  }
0x47: {  	s1 =	ssub.s32 @!p0 $0x0, s1;
	[sflag:s0] =	ssyncset.done @!p0 $0x0  }
0x48: {  	[sflag:s0] =	ssyncadd.s32 @!p0 s1  }
0x49: {  	[bflag:$0x3] =	sbarrier.arrive $0xFFFF  }
0x4a: {  	_ =	shalt  }

// kernel: kernel.9.cloned.1.call-start
scs
__scs_entry_jumppad:
0x0: {  	(pc) =	sbr.rel $0x88, $3  }
0x1: {  	(tag) =	ssettag $0x0;
	lr =	simm.s32 $0x1  }
0x2: {  	[smem:$0x3F9B] =	sst lr;
	_ =	strace $0xD0000000  }
0x3: {  	_ = 	snop  }
0x4: {  	_ = 	snop  }
0x5: {  	_ = 	snop  }
0x6: {  	_ = 	snop  }
0x7: {  	_ = 	snop  }
__scs_overlays_trampoline_lowered:
0x8: {  	[smem:$0x3FAA] =	sst s0  }
0x9: {  	[smem:$0x3FAB] =	sst s1  }
0xa: {  	[smem:$0x3FAC] =	sst s2  }
0xb: {  	[smem:$0x3FAD] =	sst s3  }
0xc: {  	[smem:$0x3FAE] =	sst s4  }
0xd: {  	[smem:$0x3FAF] =	sst s5  }
0xe: {  	[smem:$0x3FB0] =	sst s6  }
0xf: {  	[smem:$0x3FB1] =	sst s7  }
0x10: {  	[smem:$0x3FB2] =	sst s8  }
0x11: {  	[smem:$0x3FB3] =	sst s9;
	s0 =	simm.s32 @!p0 $0x0  }
0x12: {  	s1 =	sld [smem:$0x3F99];
	s0 =	simm.s32 @p0 $0x1  }
0x13: {  	[smem:$0x3FB4] =	sst s0;
	s0 =	simm.s32 @!p1 $0x0  }
0x14: {  	s2 =	sld [smem:$0x3F98];
	s0 =	simm.s32 @p1 $0x1  }
0x15: {  	[smem:$0x3FB5] =	sst s0;
	s0 =	simm.s32 @!p2 $0x0  }
0x16: {  	s3 =	sld [smem:$0x3FDB];
	s0 =	simm.s32 @p2 $0x1  }
0x17: {  	s4 =	simm.s32 $0x1BF5;
	[smem:$0x3FB7] =	sst s0  }
0x18: {  	s0 =	sld [smem:$0x3F9A];
	_ =	swait.ge [sflag:s4], $0x0  }
0x19: {  	s7 =	sld [smem:$0x3F9B]  }
0x1a: {  	s8 =	sadd.s32 $0xFFFFE003, lr  }
0x1b: {  	s9 =	sadd.s32 $0xFFFFFEF7, lr;
	s5 =	simm.s32 $0xFFFFFFFF;
	p2 =	slt.u32 s8, $0xFFFFF086  }
0x1c: {  	p1 =	slt.u32 s9, $0xF7A;
	s5 =	simm.s32 @!p2 $0x0  }
0x1d: {  	s5 =	simm.s32 @p1 $0x1;
	p0 =	seq.s32 s7, s2  }
0x1e: {  	s7 =	smul.u32 @!p0 $0xF7A, s2;
	p2 =	seq.s32 @!p0 s5, $0x0  }
0x1f: {  	s9 =	smul.u32 $0xF7A, s1;
	s8 =	simm.s32 @!p0 $0x1BF5;
	p2 =	por !p2, p0  }
0x20: {  	[sflag:s8] =	ssyncset.s32 @!p0 $0xFFFFF086;
	s6 =	sadd.s32 @!p0 s3, s7;
	s7 =	simm.s32 @!p0 $0x108  }
0x21: {  	s3 =	sadd.s32 s3, s9;
	s6 =	sadd.s32 @!p0 $0x88, s6;
	s7 =	simm.s32 @p2 $0x1082  }
0x22: {  	[simem:s7], [sflag:s8] =	dma.local @!p0 [hbm:s6], $0xF7A  }
0x23: {  	s9 =	sor.u32 $0xD0000000, s2;
	s6 =	simm.s32 $0x108;
	_ =	swait.ge @!p0 [sflag:s8], $0x0  }
0x24: {  	s3 =	sadd.s32 $0x88, s3;
	s6 =	simm.s32 @!p1 $0x1082;
	[sflag:s4] =	ssyncset.s32 $0xFFFFF086  }
0x25: {  	[simem:s6], [sflag:s4] =	dma.local [hbm:s3], $0xF7A  }
0x26: {  	[smem:$0x3F9B] =	sst s1;
	(tag) =	ssettag s2;
	_ =	strace s9  }
0x27: {  	s1 =	sld [smem:$0x3FAB]  }
0x28: {  	s2 =	sld [smem:$0x3FAC]  }
0x29: {  	s4 =	sld [smem:$0x3FAE]  }
0x2a: {  	p0 =	seq.s32 s5, $0x0;
	s5 =	sld [smem:$0x3FAF]  }
0x2b: {  	s6 =	sld [smem:$0x3FB0]  }
0x2c: {  	s7 =	sld [smem:$0x3FB1]  }
0x2d: {  	s3 =	simm.s32 $0x108;
	s8 =	sld [smem:$0x3FB2]  }
0x2e: {  	s3 =	simm.s32 @!p0 $0x1082;
	s9 =	sld [smem:$0x3FB3]  }
0x2f: {  	lr =	sadd.s32 s0, s3;
	s0 =	sld [smem:$0x3FAA]  }
0x30: {  	s3 =	sld [smem:$0x3FAD]  }
0x31: {  	[smem:$0x3FB6] =	sst s10  }
0x32: {  	s10 =	sld [smem:$0x3FB4];
	_ =	sdelay $0x3  }
0x33: {  	p0 =	seq.s32 s10, $0x1;
	s10 =	sld [smem:$0x3FB6];
	_ =	sdelay $0x3  }
0x34: {  	[smem:$0x3FB6] =	sst s10  }
0x35: {  	s10 =	sld [smem:$0x3FB5];
	_ =	sdelay $0x3  }
0x36: {  	p1 =	seq.s32 s10, $0x1;
	s10 =	sld [smem:$0x3FB6];
	_ =	sdelay $0x3  }
0x37: {  	[smem:$0x3FB6] =	sst s10  }
0x38: {  	s10 =	sld [smem:$0x3FB7]  }
0x39: {  	_ = 	snop;
	(pc) =	sbr.ind lr, $3  }
0x3a: {  	_ = 	snop  }
0x3b: {  	_ = 	snop  }
0x3c: {  	p2 =	seq.s32 s10, $0x1;
	s10 =	sld [smem:$0x3FB6]  }
0x3d: {  	_ =	shalt  }
0x3e: {  	_ =	shalt  }
0x3f: {  	_ =	shalt  }
0x40: {  	_ =	shalt  }
0x41: {  	_ =	shalt  }
0x42: {  	_ =	shalt  }
0x43: {  	_ =	shalt  }
0x44: {  	_ =	shalt  }
0x45: {  	_ =	shalt  }
0x46: {  	_ =	shalt  }
0x47: {  	_ =	shalt  }
0x48: {  	_ =	shalt  }
0x49: {  	_ =	shalt  }
0x4a: {  	_ =	shalt  }
0x4b: {  	_ =	shalt  }
0x4c: {  	_ =	shalt  }
0x4d: {  	_ =	shalt  }
0x4e: {  	_ =	shalt  }
0x4f: {  	_ =	shalt  }
0x50: {  	_ =	shalt  }
0x51: {  	_ =	shalt  }
0x52: {  	_ =	shalt  }
0x53: {  	_ =	shalt  }
0x54: {  	_ =	shalt  }
0x55: {  	_ =	shalt  }
0x56: {  	_ =	shalt  }
0x57: {  	_ =	shalt  }
0x58: {  	_ =	shalt  }
0x59: {  	_ =	shalt  }
0x5a: {  	_ =	shalt  }
0x5b: {  	_ =	shalt  }
0x5c: {  	_ =	shalt  }
0x5d: {  	_ =	shalt  }
0x5e: {  	_ =	shalt  }
0x5f: {  	_ =	shalt  }
0x60: {  	_ =	shalt  }
0x61: {  	_ =	shalt  }
0x62: {  	_ =	shalt  }
0x63: {  	_ =	shalt  }
0x64: {  	_ =	shalt  }
0x65: {  	_ =	shalt  }
0x66: {  	_ =	shalt  }
0x67: {  	_ =	shalt  }
0x68: {  	_ =	shalt  }
0x69: {  	_ =	shalt  }
0x6a: {  	_ =	shalt  }
0x6b: {  	_ =	shalt  }
0x6c: {  	_ =	shalt  }
0x6d: {  	_ =	shalt  }
0x6e: {  	_ =	shalt  }
0x6f: {  	_ =	shalt  }
0x70: {  	_ =	shalt  }
0x71: {  	_ =	shalt  }
0x72: {  	_ =	shalt  }
0x73: {  	_ =	shalt  }
0x74: {  	_ =	shalt  }
0x75: {  	_ =	shalt  }
0x76: {  	_ =	shalt  }
0x77: {  	_ =	shalt  }
0x78: {  	_ =	shalt  }
0x79: {  	_ =	shalt  }
0x7a: {  	_ =	shalt  }
0x7b: {  	_ =	shalt  }
0x7c: {  	_ =	shalt  }
0x7d: {  	_ =	shalt  }
0x7e: {  	_ =	shalt  }
0x7f: {  	_ =	shalt  }
0x80: {  	_ =	shalt  }
0x81: {  	_ =	shalt  }
0x82: {  	_ =	shalt  }
0x83: {  	_ =	shalt  }
0x84: {  	_ =	shalt  }
0x85: {  	_ =	shalt  }
0x86: {  	_ =	shalt  }
0x87: {  	_ =	shalt  }
.Lfunc_end0:
.L_simem_size_0:
called_computation.1_lowered:
.L_overlay_start_0:
0x88: {  	s2 =	sld [smem:$0x3FD9]  }
0x89: {  	s3 =	sld [smem:$0x3FFE];
	_ =	sdelay $0x1  }
0x8a: {  	s1 =	srdreg.scid  }
0x8b: {  	s0 =	sand.u32 $0x1, s1  }
0x8c: {  	s17 =	sshll.u32 s0, $0xA;
	s2 =	sadd.s32 s3, s2  }
0x8d: {  	s2 =	sadd.s32 s2, s17  }
0x8e: {  	[smem:$0x3FC2] =	sst s2  }
0x8f: {  	_ = 	snop  }
0x90: {  	s2 =	sld [smem:$0x3FC8];
	(tm) =	ssettm $0x1  }
0x91: {  	s18 =	sld [smem:$0x3FFB];
	_ =	sdelay $0x3  }
0x92: {  	_ =	strace s18  }
0x93: {  	s3 =	sld [smem:$0x3FFC];
	_ =	sdelay $0x3  }
0x94: {  	_ =	strace s3  }
0x95: {  	s3 =	sld [smem:$0x3FFD];
	_ =	sdelay $0x3  }
0x96: {  	_ =	strace s3  }
0x97: {  	_ =	strace $0x8FFFFFFF  }
0x98: {  	s19 =	sld [smem:$0x3FDB];
	_ =	sdelay $0x1  }
0x99: {  	s4 =	simm.s32 $_scs_section_size  }
0x9a: {  	s5 =	simm.s32 $_size__tile_overlayer_lowered;
	s6 =	simm.s32 $_tile_overlayer_lowered  }
0x9b: {  	s22 =	simm.s32 $0x1BFF;
	s21 =	sshll.u32 s6, $0x1;
	s3 =	sadd.s32 s4, s19  }
0x9c: {  	s7 =	simm.s32 $0x0;
	s20 =	sshll.u32 s5, $0x1;
	s5 =	sadd.s32 s21, s3  }
0x9d: {  	[timem:s7], [sflag:s22] =	dma.local [hbm:s5], s20  }
0x9e: {  	_ =	swait.ge [sflag:s22], s20  }
0x9f: {  	s4 =	ssub.s32 $0x0, s20;
	[sflag:s22] =	ssyncset.done $0x0  }
0xa0: {  	[sflag:s22] =	ssyncadd.s32 s4;
	_ =	sdelay $0x1  }
0xa1: {  	s23 =	simm.s32 $0x1B8B  }
0xa2: {  	_ =	swait.ge [sflag:s23], $0x1  }
0xa3: {  	[sflag:s23] =	ssyncset.done $0x0  }
0xa4: {  	s25 =	simm.s32 $0x1B8E;
	s24 =	sld [smem:$0x3FFE];
	[sflag:s23] =	ssyncadd.s32 $0xFFFFFFFF  }
0xa5: {  	s26 =	simm.s32 $execute0_lowered;
	[smem:$0x3FD2] =	sst s25  }
0xa6: {  	s5 =	sshll.u32 s26, $0x1;
	_ =	strace $0x80000049;
	[dreg:$0x1] =	wrdreg $0xFFFFFFFF  }
0xa7: {  	s28 =	simm.s32 $_size_execute0_lowered;
	s3 =	sadd.s32 s3, s5;
	[dreg:$0x0] =	wrdreg $0x0  }
0xa8: {  	s5 =	sshll.u32 s28, $0x1;
	[dreg:$0x2] =	wrdreg s3  }
0xa9: {  	[dreg:$0x3] =	wrdreg s5  }
0xaa: {  	[dreg:$0x4] =	wrdreg $0xC0  }
0xab: {  	_ =	task [dreg:s7], $0x5FFFF  }
0xac: {  	[dreg:$0x1] =	wrdreg $0xFFFFFFFF  }
0xad: {  	[dreg:$0x0] =	wrdreg $0x60  }
0xae: {  	[dreg:$0x2] =	wrdreg s24  }
0xaf: {  	[dreg:$0x3] =	wrdreg s2  }
0xb0: {  	[dreg:$0x4] =	wrdreg $0x84000  }
0xb1: {  	[dreg:$0x5] =	wrdreg $0x9  }
0xb2: {  	_ =	task.clear_ibuf [dreg:s7], $0x6FFFF;
	_ =	strace $0x90000049  }
0xb3: {  	s29 =	simm.s32 $0x9;
	_ =	strace $0x8000004B  }
0xb4: {  	_ =	swait.ge [sflag:s29], $0x1  }
0xb5: {  	[sflag:s29] =	ssyncadd.s32 $0xFFFFFFFF  }
0xb6: {  	_ =	strace $0x9000004B  }
0xb7: {  	_ =	sfence  }
0xb8: {  	s30 =	sld [smem:$0x0];
	_ =	sdelay $0x2  }
0xb9: {  	s31 =	sshll.u32 s1, $0xD;
	s1 =	sshrl.u32 s1, $0x2  }
0xba: {  	s3 =	sand.u32 $0x4000, s31;
	s1 =	sadd.s32 s1, s30  }
0xbb: {  	s0 =	sor.u32 s3, s0;
	s1 =	sshll.u32 s1, $0x11  }
0xbc: {  	s0 =	sor.u32 s1, s0  }
0xbd: {  	s0 =	sadd.s32 $0x8F2B, s0  }
0xbe: {  	[sflag:s0] =	ssyncadd.remote.s32 $0x1  }
0xbf: {  	_ =	sfence.sel $0xFFFF  }
0xc0: {  	[dreg:$0x0] =	wrdreg $0xFFFFFFFF;
	(pc) =	sbr.abs _section_cstart, $3  }
0xc1: {  	[dreg:$0x1] =	wrdreg $0xFFFFFFFF  }
0xc2: {  	_ =	task.clear_ibuf [dreg:s7], $0x2FFFF;
	_ =	strace $0x9FFFFFFF  }
0xc3: {  	(tm) =	ssettm $0x7FFFFFFF  }
tec
execute0_lowered:
.L_overlay_start_1:
0x0: {  	(tag) =	ssettag $0x1  }
0x1: {  	s0 =	rddreg [dreg:$0x0]  }
0x2: {  	s1 =	rddreg [dreg:$0x1];
	s3 =	srdreg.scid  }
0x3: {  	s2 =	rddreg [dreg:$0x2];
	s12 =	stileid.u32;
	s6 =	simm.s32 $0x0  }
0x4: {  	s28 =	simm.s32 $0x400;
	s29 =	simm.s32 $0x2;
	s30 =	simm.s32 $0x3  }
0x5: {  	s31 =	simm.s32 $0x4;
	s3 =	sand.u32 $0x1, s3;
	s5 =	smul.u32 $0x13C00, s12  }
0x6: {  	[smem:$0x7FF] =	sst s6;
	s8 =	sshll.u32 s12, $0x1;
	s9 =	smul.u32 $0x4F000, s12  }
0x7: {  	p0 =	slt.u32 s12, $0x2;
	s4 =	smul.u32 $0x13C000, s3;
	_ =	strace $0x8000004A  }
0x8: {  	s16 =	ssub.s32 $0x2, s3;
	s17 =	sor.u32 s3, s8;
	s3 =	smul.u32 $0x9C0, s3  }
0x9: {  	[dreg:$0x4] =	wrdreg s28;
	s7 =	sshrl.u32 s16, $0x1;
	s8 =	smul.u32 $0x4E, s17  }
0xa: {  	s17 =	smin.u32 s17, $0x4;
	s18 =	sshrl.u32 s9, $0x2;
	s5 =	sadd.s32 s5, s4  }
0xb: {  	s4 =	sadd.s32 $0x1600, s0;
	s7 =	ssub.s32 s16, s7;
	s6 =	sadd.s32 s18, s2  }
0xc: {  	s16 =	smul.u32 $0x1380, s12;
	s26 =	sshll.u32 s17, $0x5;
	s5 =	sshrl.u32 s5, $0x3  }
0xd: {  	s10 =	sadd.s32 s17, s8;
	s19 =	sadd.s32 $0x4000, s6;
	s20 =	sadd.s32 $0x8000, s6  }
0xe: {  	s21 =	sadd.s32 $0xC000, s6;
	s22 =	sadd.s32 $0x10000, s6;
	[dreg:$0x5] =	wrdreg s19  }
0xf: {  	s18 =	smax.u32 s7, $0x1;
	s0 =	sadd.s32 s5, s0;
	[dreg:$0x6] =	wrdreg s20  }
0x10: {  	s5 =	simm.s32 $0x4F;
	[dreg:$0x7] =	wrdreg s21;
	s11 =	sshll.u32 s10, $0x5  }
0x11: {  	[dreg:$0x8] =	wrdreg s22;
	s20 =	simm.s32 $0x4400;
	s21 =	simm.s32 $0x5  }
0x12: {  	s5 =	simm.s32 @!p0 $0x4E;
	s11 =	sadd.s32 s1, s11;
	s1 =	sadd.s32 s16, s1  }
0x13: {  	s17 =	sadd.s32 $0x28E00, s0;
	p0 =	sgt.u32 s12, $0x1;
	s23 =	sadd.s32 $0x10, s11  }
0x14: {  	s0 =	simm.s32 $0x0;
	s24 =	sadd.s32 $0x20, s11;
	[dreg:$0x9] =	wrdreg s23  }
0x15: {  	s25 =	sadd.s32 $0x30, s11;
	s15 =	sadd.s32 $0x40, s11;
	[dreg:$0xa] =	wrdreg s24  }
0x16: {  	s16 =	sadd.s32 $0x50, s11;
	s1 =	sadd.s32 s3, s1;
	[dreg:$0xb] =	wrdreg s25  }
0x17: {  	v0 =	vimm.f32 $0.0e+00;
	s19 =	sadd.s32 s26, s1;
	s23 =	simm.s32 $0x1;
	s24 =	simm.s32 $0x80  }
.LBB2_1:
0x18: {  	s3 =	simm.s32 $0x0  }
0x19: {  	s1 =	sand.u32 $0xFE00, s3  }
0x1a: {  	s3 =	sand.u32 $0x70, s3;
	s7 =	sshrl.u32 s1, $0x2  }
0x1b: {  	s1 =	simm.s32 $0x40;
	s7 =	sor.u32 s3, s7;
	s3 =	simm.s32 $0x0  }
.LBB2_2:
0x1c: {  	p1 =	sne.s32 s1, $0xFFC0  }
0x1d: {  	[tilespmem:s7+$0x4400] =	vst v0;
	s3 =	sadd.s32 $0x10, s3;
	s7 =	smov.u32 s1;
	s1 =	sadd.s32 $0x40, s1  }
.Ltmp0:
0x1e: {  	(pc) =	sbr.rel @p1 .LBB2_2-.Ltmp0, $4  }
0x1f: {  	_ = 	snop  }
0x20: {  	s7 =	sand.u32 $0xFE00, s7  }
0x21: {  	s22 =	sand.u32 $0x70, s3;
	s7 =	sshrl.u32 s7, $0x2  }
0x22: {  	s7 =	sor.u32 s22, s7  }
0x23: {  	[tilespmem:s7+$0x4400] =	vst v0  }
0x24: {  	[spmem:s6] =	stream.linear.scatter [tilespmem:s20], [sflag:$0x5], $0x4000, $0x38;
	[tilespmem:$0x1C000] =	vst v63  }
0x25: {  	_ =	swait.ge [sflag:s21], $0x4000  }
0x26: {  	[sflag:s21] =	ssyncset.done $0x0  }
0x27: {  	s1 =	rddreg [dreg:$0x5];
	[sflag:s21] =	ssyncadd.s32 $0xFFFFC000  }
0x28: {  	[spmem:s1] =	stream.linear.scatter [tilespmem:s20], [sflag:$0x5], $0x4000, $0x38;
	[tilespmem:$0x1C000] =	vst v63  }
0x29: {  	_ =	swait.ge [sflag:s21], $0x4000  }
0x2a: {  	[sflag:s21] =	ssyncset.done $0x0  }
0x2b: {  	s9 =	rddreg [dreg:$0x6];
	[sflag:s21] =	ssyncadd.s32 $0xFFFFC000  }
0x2c: {  	[spmem:s9] =	stream.linear.scatter [tilespmem:s20], [sflag:$0x5], $0x4000, $0x38;
	[tilespmem:$0x1C000] =	vst v63  }
0x2d: {  	_ =	swait.ge [sflag:s21], $0x4000  }
0x2e: {  	[sflag:s21] =	ssyncset.done $0x0  }
0x2f: {  	s10 =	rddreg [dreg:$0x7];
	[sflag:s21] =	ssyncadd.s32 $0xFFFFC000  }
0x30: {  	[spmem:s10] =	stream.linear.scatter [tilespmem:s20], [sflag:$0x5], $0x4000, $0x38;
	[tilespmem:$0x1C000] =	vst v63  }
0x31: {  	_ =	swait.ge [sflag:s21], $0x4000  }
0x32: {  	[sflag:s21] =	ssyncset.done $0x0  }
0x33: {  	s12 =	rddreg [dreg:$0x8];
	[sflag:s21] =	ssyncadd.s32 $0xFFFFC000  }
0x34: {  	[spmem:s12] =	stream.linear.scatter [tilespmem:s20], [sflag:$0x5], $0x3C00, $0x38;
	[tilespmem:$0x1C000] =	vst v63  }
0x35: {  	_ =	swait.ge [sflag:s21], $0x3C00  }
0x36: {  	[sflag:s21] =	ssyncset.done $0x0  }
0x37: {  	s13 =	simm.s32 $0x0;
	[sflag:s21] =	ssyncadd.s32 $0xFFFFC400  }
0x38: {  	[tilespmem:s13], [sflag:$0x1] =	stream.linear.gather [hbm4b:s11+s13], $0x80, $0x38;
	[tilespmem:$0x1C000] =	vst v63  }
0x39: {  	s14 =	simm.s32 $0x200;
	s3 =	rddreg [dreg:$0x9]  }
0x3a: {  	[tilespmem:s14], [sflag:$0x1] =	stream.linear.gather [hbm4b:s3+s13], $0x80, $0x38;
	[tilespmem:$0x1C000] =	vst v63  }
0x3b: {  	_ =	swait.ge [sflag:s23], $0x80  }
0x3c: {  	[sflag:s23] =	ssyncset.done $0x0  }
0x3d: {  	[sflag:s23] =	ssyncadd.s32 $0xFFFFFF80  }
0x3e: {  	_ =	swait.ge [sflag:s23], $0x80  }
0x3f: {  	[sflag:s23] =	ssyncset.done $0x0  }
0x40: {  	s22 =	rddreg [dreg:$0xa];
	[sflag:s23] =	ssyncadd.s32 $0xFFFFFF80  }
0x41: {  	[tilespmem:s24], [sflag:$0x2] =	stream.linear.gather [hbm4b:s22+s13], $0x80, $0x38;
	[tilespmem:$0x1C000] =	vst v63  }
0x42: {  	s26 =	simm.s32 $0x280;
	s25 =	rddreg [dreg:$0xb]  }
0x43: {  	[tilespmem:s26], [sflag:$0x2] =	stream.linear.gather [hbm4b:s25+s13], $0x80, $0x38;
	[tilespmem:$0x1C000] =	vst v63  }
0x44: {  	s8 =	simm.s32 $0x100  }
0x45: {  	[tilespmem:s8], [sflag:$0x1] =	stream.linear.gather [hbm4b:s15+s13], $0x80, $0x38;
	[tilespmem:$0x1C000] =	vst v63  }
0x46: {  	s9 =	simm.s32 $0x300  }
0x47: {  	[tilespmem:s9], [sflag:$0x1] =	stream.linear.gather [hbm4b:s16+s13], $0x80, $0x38;
	[tilespmem:$0x1C000] =	vst v63  }
0x48: {  	s22 =	simm.s32 $0x400;
	[bflag:$0x0] =	sbarrier.arrive $0xFFFF  }
0x49: {  	[tilespmem:s22], [sflag:$0x3] =	stream.indirect.gather [hbm4b:s4+s24], $0x80, s13, s24, $0xb8;
	[tilespmem:$0x1C000] =	vst v63  }
0x4a: {  	_ =	swait.ge [sflag:s29], $0x80  }
0x4b: {  	[sflag:s29] =	ssyncset.done $0x0  }
0x4c: {  	[sflag:s29] =	ssyncadd.s32 $0xFFFFFF80  }
0x4d: {  	p1 =	sle.u32 s5, $0x3;
	s10 =	simm.s32 $0x0;
	_ =	swait.ge [sflag:s29], $0x80  }
0x4e: {  	s7 =	simm.s32 $0x180;
	s1 =	sand.u32 $0x100, s10;
	[sflag:s29] =	ssyncset.done $0x0  }
0x4f: {  	s12 =	sor.u32 $0x80, s1;
	s25 =	sadd.s32 @!p1 $0x0, s19;
	[sflag:s29] =	ssyncadd.s32 $0xFFFFFF80  }
0x50: {  	[tilespmem:s20], [sflag:$0x4] =	stream.indirect.gather [hbm4b:s4+s24], $0x80, s12, s24, $0xb8;
	[tilespmem:$0x1C000] =	vst v63  }
0x51: {  	s7 =	sand.u32 @!p1 $0x180, s7;
	s26 =	simm.s32 @!p1 $0x0;
	s28 =	sadd.s32 @!p1 $0x60, s25  }
0x52: {  	[tilespmem:s7], [sflag:$0x2] =	stream.linear.gather @!p1 [hbm4b:s28+s26], $0x80, $0x38;
	[tilespmem:$0x1C000] =	vst v63  }
0x53: {  	s25 =	sadd.s32 @!p1 $0x70, s25;
	s13 =	simm.s32 $0x0;
	s7 =	sor.u32 @!p1 $0x200, s7  }
0x54: {  	[tilespmem:s7], [sflag:$0x2] =	stream.linear.gather @!p1 [hbm4b:s25+s26], $0x80, $0x38;
	[tilespmem:$0x1C000] =	vst v63  }
0x55: {  	s7 =	sand.u32 $0x400, s13;
	_ =	swait.ge [sflag:s30], $0x4000  }
0x56: {  	s7 =	sshrl.u32 s7, $0x2;
	[sflag:s30] =	ssyncset.done $0x0  }
0x57: {  	s14 =	rddreg [dreg:$0x4];
	s7 =	sor.u32 $0x200, s7;
	[sflag:s30] =	ssyncadd.s32 $0xFFFFC000  }
0x58: {  	[spmem:s2] =	stream.indirect.scatter.add.f32 [tilespmem:s14], [sflag:$0x5], $0x80, s7, s24, $0xb8;
	[tilespmem:$0x1C000] =	vst v63  }
0x59: {  	_ =	swait.ge [sflag:s21], $0x4000  }
0x5a: {  	p1 =	sle.u32 s5, $0x2;
	[sflag:s21] =	ssyncset.done $0x0  }
0x5b: {  	s7 =	simm.s32 @!p1 $0x1;
	[sflag:s21] =	ssyncadd.s32 $0xFFFFC000  }
0x5c: {  	_ =	swait.ge @!p1 [sflag:s7], $0x80  }
0x5d: {  	[sflag:s7] =	ssyncset.done @!p1 $0x0  }
0x5e: {  	[sflag:s7] =	ssyncadd.s32 @!p1 $0xFFFFFF80  }
0x5f: {  	s25 =	sand.u32 @!p1 $0x400, s22;
	p2 =	sle.u32 @!p1 s5, $0x4;
	_ =	swait.ge @!p1 [sflag:s7], $0x80  }
0x60: {  	s26 =	simm.s32 @!p1 $0x400;
	s25 =	sshrl.u32 @!p1 s25, $0x2;
	[sflag:s7] =	ssyncset.done @!p1 $0x0  }
0x61: {  	p2 =	por p2, p1;
	[sflag:s7] =	ssyncadd.s32 @!p1 $0xFFFFFF80;
	s7 =	simm.s32 @!p1 $0x80  }
0x62: {  	[tilespmem:s26], [sflag:$0x3] =	stream.indirect.gather @!p1 [hbm4b:s4+s7], $0x80, s25, s7, $0xb8;
	[tilespmem:$0x1C000] =	vst v63  }
0x63: {  	s7 =	sadd.s32 @!p2 $0x0, s19  }
0x64: {  	s26 =	simm.s32 @!p2 $0x0;
	s25 =	sadd.s32 @!p2 $0x80, s7  }
0x65: {  	[tilespmem:s1], [sflag:$0x1] =	stream.linear.gather @!p2 [hbm4b:s25+s26], $0x80, $0x38;
	[tilespmem:$0x1C000] =	vst v63  }
0x66: {  	s7 =	sadd.s32 @!p2 $0x90, s7;
	s1 =	sor.u32 @!p2 $0x200, s1  }
0x67: {  	[tilespmem:s1], [sflag:$0x1] =	stream.linear.gather @!p2 [hbm4b:s7+s26], $0x80, $0x38;
	[tilespmem:$0x1C000] =	vst v63  }
0x68: {  	_ =	swait.ge [sflag:s31], $0x4000  }
0x69: {  	[sflag:s31] =	ssyncset.done $0x0  }
0x6a: {  	s28 =	simm.s32 $0x280;
	s26 =	sor.u32 $0x200, s12;
	[sflag:s31] =	ssyncadd.s32 $0xFFFFC000  }
0x6b: {  	[spmem:s2] =	stream.indirect.scatter.add.f32 [tilespmem:s20], [sflag:$0x5], $0x80, s26, s24, $0xb8;
	[tilespmem:$0x1C000] =	vst v63  }
0x6c: {  	s25 =	simm.s32 $0x40;
	s26 =	simm.s32 $0x6;
	_ =	swait.ge [sflag:s21], $0x4000  }
.LBB2_4:
0x6d: {  	[sflag:s21] =	ssyncset.done $0x0  }
0x6e: {  	[sflag:s21] =	ssyncadd.s32 $0xFFFFC000  }
0x6f: {  	_ =	swait.ge [sflag:s29], $0x80  }
0x70: {  	[sflag:s29] =	ssyncset.done $0x0  }
0x71: {  	s22 =	sadd.s32 $0x400, s22;
	s1 =	smov.u32 s25;
	[sflag:s29] =	ssyncadd.s32 $0xFFFFFF80  }
0x72: {  	s3 =	sadd.s32 $0xFFFFFE80, s28;
	s8 =	sadd.s32 $0xFFFFFFFF, s26;
	_ =	swait.ge [sflag:s29], $0x80  }
0x73: {  	s7 =	sand.u32 $0x100, s3;
	p2 =	sge.u32 s8, s5;
	[sflag:s29] =	ssyncset.done $0x0  }
0x74: {  	s3 =	sor.u32 $0x80, s7;
	s9 =	sadd.s32 @!p2 s1, s19;
	[sflag:s29] =	ssyncadd.s32 $0xFFFFFF80  }
0x75: {  	[tilespmem:s20], [sflag:$0x4] =	stream.indirect.gather [hbm4b:s4+s24], $0x80, s3, s24, $0xb8;
	[tilespmem:$0x1C000] =	vst v63  }
0x76: {  	s8 =	sand.u32 @!p2 $0x180, s28;
	s10 =	simm.s32 @!p2 $0x0;
	s12 =	sadd.s32 @!p2 $0x60, s9  }
0x77: {  	[tilespmem:s8], [sflag:$0x2] =	stream.linear.gather @!p2 [hbm4b:s12+s10], $0x80, $0x38;
	[tilespmem:$0x1C000] =	vst v63  }
0x78: {  	s14 =	sadd.s32 $0xFFFFFC00, s22;
	s13 =	sor.u32 @!p2 $0x200, s8;
	s9 =	sadd.s32 @!p2 $0x70, s9  }
0x79: {  	[tilespmem:s13], [sflag:$0x2] =	stream.linear.gather @!p2 [hbm4b:s9+s10], $0x80, $0x38;
	[tilespmem:$0x1C000] =	vst v63  }
0x7a: {  	s8 =	sand.u32 $0x400, s14;
	_ =	swait.ge [sflag:s30], $0x4000  }
0x7b: {  	s8 =	sshrl.u32 s8, $0x2;
	[sflag:s30] =	ssyncset.done $0x0  }
0x7c: {  	s8 =	sor.u32 $0x200, s8;
	s12 =	rddreg [dreg:$0x4];
	[sflag:s30] =	ssyncadd.s32 $0xFFFFC000  }
0x7d: {  	[spmem:s2] =	stream.indirect.scatter.add.f32 [tilespmem:s12], [sflag:$0x5], $0x80, s8, s24, $0xb8;
	[tilespmem:$0x1C000] =	vst v63  }
0x7e: {  	s13 =	sadd.s32 $0xFFFFFFFE, s26;
	_ =	swait.ge [sflag:s21], $0x4000  }
0x7f: {  	p2 =	sge.u32 s13, s5;
	[sflag:s21] =	ssyncset.done $0x0  }
0x80: {  	s8 =	simm.s32 @!p2 $0x1;
	[sflag:s21] =	ssyncadd.s32 $0xFFFFC000  }
0x81: {  	_ =	swait.ge @!p2 [sflag:s8], $0x80  }
0x82: {  	[sflag:s8] =	ssyncset.done @!p2 $0x0  }
0x83: {  	s9 =	sand.u32 @!p2 $0x400, s22;
	[sflag:s8] =	ssyncadd.s32 @!p2 $0xFFFFFF80  }
0x84: {  	p3 =	sge.u32 @!p2 s26, s5;
	s10 =	simm.s32 @!p2 $0x400;
	_ =	swait.ge @!p2 [sflag:s8], $0x80  }
0x85: {  	s9 =	sshrl.u32 @!p2 s9, $0x2;
	p3 =	por p3, p2;
	[sflag:s8] =	ssyncset.done @!p2 $0x0  }
0x86: {  	s12 =	simm.s32 @!p2 $0x80;
	s1 =	sadd.s32 @!p3 s1, s19;
	[sflag:s8] =	ssyncadd.s32 @!p2 $0xFFFFFF80  }
0x87: {  	[tilespmem:s10], [sflag:$0x3] =	stream.indirect.gather @!p2 [hbm4b:s4+s12], $0x80, s9, s12, $0xb8;
	[tilespmem:$0x1C000] =	vst v63  }
0x88: {  	s25 =	sadd.s32 $0x40, s25;
	s14 =	simm.s32 @!p3 $0x0;
	s8 =	sadd.s32 @!p3 $0x80, s1  }
0x89: {  	[tilespmem:s7], [sflag:$0x1] =	stream.linear.gather @!p3 [hbm4b:s8+s14], $0x80, $0x38;
	[tilespmem:$0x1C000] =	vst v63  }
0x8a: {  	p1 =	sne.s32 s25, $0x9C0;
	s13 =	sor.u32 @!p3 $0x200, s7;
	s1 =	sadd.s32 @!p3 $0x90, s1  }
0x8b: {  	[tilespmem:s13], [sflag:$0x1] =	stream.linear.gather @!p3 [hbm4b:s1+s14], $0x80, $0x38;
	[tilespmem:$0x1C000] =	vst v63  }
.Ltmp1:
0x8c: {  	_ =	swait.ge [sflag:s31], $0x4000;
	(pc) =	sbr.rel @p1 .LBB2_4-.Ltmp1, $4  }
0x8d: {  	[sflag:s31] =	ssyncset.done $0x0  }
0x8e: {  	s14 =	sor.u32 $0x200, s3;
	[sflag:s31] =	ssyncadd.s32 $0xFFFFC000  }
0x8f: {  	[spmem:s2] =	stream.indirect.scatter.add.f32 [tilespmem:s20], [sflag:$0x5], $0x80, s14, s24, $0xb8;
	[tilespmem:$0x1C000] =	vst v63  }
0x90: {  	s28 =	sadd.s32 $0x100, s28;
	s26 =	sadd.s32 $0x2, s26;
	_ =	swait.ge [sflag:s21], $0x4000  }
0x91: {  	[sflag:s21] =	ssyncset.done $0x0  }
0x92: {  	s1 =	simm.s32 @!p0 $0x3;
	[sflag:s21] =	ssyncadd.s32 $0xFFFFC000  }
0x93: {  	_ =	swait.ge @!p0 [sflag:s1], $0x4000  }
0x94: {  	s3 =	simm.s32 @!p0 $0x300;
	[sflag:s1] =	ssyncset.done @!p0 $0x0  }
0x95: {  	s7 =	simm.s32 @!p0 $0x400;
	[sflag:s1] =	ssyncadd.s32 @!p0 $0xFFFFC000;
	s1 =	simm.s32 @!p0 $0x80  }
0x96: {  	[spmem:s2] =	stream.indirect.scatter.add.f32 @!p0 [tilespmem:s7], [sflag:$0x5], $0x80, s3, s1, $0xb8;
	[tilespmem:$0x1C000] =	vst v63  }
0x97: {  	s1 =	simm.s32 @!p0 $0x5  }
0x98: {  	s26 =	stileid.u32;
	_ =	swait.ge @!p0 [sflag:s1], $0x4000  }
0x99: {  	s28 =	sshrl.u32 s6, $0x3;
	s0 =	sadd.s32 $0x1, s0;
	[sflag:s1] =	ssyncset.done @!p0 $0x0  }
0x9a: {  	p1 =	sne.s32 s0, s18;
	[sflag:s1] =	ssyncadd.s32 @!p0 $0xFFFFC000;
	s1 =	sshll.u32 s26, $0x6  }
.Ltmp2:
0x9b: {  	[bflag:$0x0] =	sbarrier.arrive $0xFFFF;
	s1 =	sor.u32 $0x1C05, s1;
	(pc) =	sbr.rel @p1 .LBB2_1-.Ltmp2, $4  }
0x9c: {  	[hbm:s17], [sflag:s1] =	dma.local [spmem:s28], $0x2780  }
0x9d: {  	_ =	swait.ge [sflag:s21], $0x2780  }
0x9e: {  	[sflag:s21] =	ssyncset.done $0x0  }
0x9f: {  	[sflag:s21] =	ssyncadd.s32 $0xFFFFD880  }
0xa0: {  	_ =	sfence.sel $0x180000  }
0xa1: {  	[bflag:$0x0] =	sbarrier.arrive $0xFFFF  }
0xa2: {  	_ =	strace $0x9000004A  }
0xa3: {  	s0 =	stileid.u32;
	[bflag:$0x2] =	sbarrier.arrive $0xFFFF  }
0xa4: {  	p0 =	sne.s32 s0, $0x0;
	s0 =	rddreg [dreg:$0x3]  }
0xa5: {  	s0 =	sadd.s32 @!p0 $0x100000, s0  }
0xa6: {  	[sflag:s0] =	ssyncadd.tile.s32 @!p0 $0x1;
	_ =	shalt  }
.Lfunc_end2:
_tile_overlayer_lowered:
.L_overlay_start_2:
0xa7: {  	(tag) =	ssettag $0x2  }
0xa8: {  	s0 =	rddreg [dreg:$0x0];
	s2 =	stileid.u32  }
0xa9: {  	s1 =	rddreg [dreg:$0x1];
	p0 =	sne.s32 s2, $0x0  }
0xaa: {  	s3 =	rddreg [dreg:$0x2];
	[bflag:$0x3] =	sbarrier.arrive $0xFFFF;
	s2 =	simm.s32 @!p0 $0x1C05  }
0xab: {  	[timem:s3], [sflag:s2] =	dma.local @!p0 [hbm:s0], s1  }
0xac: {  	s0 =	simm.s32 @!p0 $0x5  }
0xad: {  	_ =	swait.ge @!p0 [sflag:s0], s1  }
0xae: {  	s1 =	ssub.s32 @!p0 $0x0, s1;
	[sflag:s0] =	ssyncset.done @!p0 $0x0  }
0xaf: {  	[sflag:s0] =	ssyncadd.s32 @!p0 s1  }
0xb0: {  	[bflag:$0x3] =	sbarrier.arrive $0xFFFF  }
0xb1: {  	_ =	shalt  }

</sc_bundles>
